<compile_context>
chip_gen: v7x
topology: tpu7x:2x2x1
jax: 0.10.2.dev20260603
libtpu: 0.0.44.dev20260713+nightly
codegen_flags: <defaults>
</compile_context>

<pallas_src>
import jax
import jax.numpy as jnp
from jax import lax
from jax.experimental import pallas as pl
from jax.experimental.pallas import tpu as pltpu
from jax.experimental.pallas import tpu_sc as plsc

_LANES = 16
_L = 256
_NCHUNK = _L // _LANES

_DNUMS = lax.GatherDimensionNumbers(
    offset_dims=(), collapsed_slice_dims=(0,), start_index_map=(0,))


def _lane_bcast(x, lane):
    idx = jnp.full((_LANES,), lane, jnp.int32)
    return lax.gather(x, idx[:, None], dimension_numbers=_DNUMS,
                      slice_sizes=(1,),
                      mode=lax.GatherScatterMode.PROMISE_IN_BOUNDS)


def _sc_body(t_hbm, o_hbm, out_hbm, tv, ov, d0, d1, d2, d3, d4, d5, resv,
             sem1, sem2):
    cid = lax.axis_index("c")
    sid = lax.axis_index("s")

    @pl.when(jnp.logical_and(cid == 0, sid == 0))
    def _():
        cp1_dma = pltpu.async_copy(t_hbm, tv, sem1)
        cp2_dma = pltpu.async_copy(o_hbm, ov, sem2)
        lanes = lax.iota(jnp.int32, _LANES)
        zeros = jnp.zeros((_LANES,), jnp.float32)
        izeros = jnp.zeros((_LANES,), jnp.int32)
        ones = jnp.ones((_LANES,), jnp.float32)
        top = jnp.full((_LANES,), float(_L - 1), jnp.float32)
        drefs = ((d0, d3), (d1, d4), (d2, d5))

        def init(k, _):
            sl = pl.ds(k * _LANES, _LANES)
            d0[sl] = zeros
            d1[sl] = zeros
            d2[sl] = zeros
            d3[sl] = zeros
            d4[sl] = zeros
            d5[sl] = zeros
            return 0

        lax.fori_loop(0, _NCHUNK, init, 0)
        cp1_dma.wait()
        cp2_dma.wait()

        def ffloor(v):
            vr = v.astype(jnp.int32)
            return jnp.where(vr.astype(jnp.float32) > v, vr - 1, vr)

        bounds = []
        for i in range(3):
            dA, dB = drefs[i]

            def cbody(k, carry, i=i, dA=dA, dB=dB):
                cA, cB = carry
                sl = pl.ds(i * _L + k * _LANES, _LANES)
                csA = plsc.cumsum(tv[sl]) + cA
                csB = plsc.cumsum(ov[sl]) + cB
                plsc.addupdate_scatter(dA, [ffloor(csA)], ones)
                plsc.addupdate_scatter(dB, [ffloor(csB)], ones)
                return (_lane_bcast(csA, _LANES - 1),
                        _lane_bcast(csB, _LANES - 1))

            cAf, cBf = lax.fori_loop(0, _NCHUNK, cbody, (zeros, zeros))
            xlA = _lane_bcast(tv[pl.ds(i * _L + _L - _LANES, _LANES)],
                              _LANES - 1)
            xlB = _lane_bcast(ov[pl.ds(i * _L + _L - _LANES, _LANES)],
                              _LANES - 1)
            bounds.append((ffloor(cAf), ffloor(cAf - xlA),
                           ffloor(cBf), ffloor(cBf - xlB)))

        def abody(k, carry):
            b_c, acc = carry
            sl = pl.ds(k * _LANES, _LANES)
            p = lanes + k * _LANES
            h1 = zeros
            h2 = zeros
            new_b, new_acc = [], []
            for i in range(3):
                dA, dB = drefs[i]
                clA, cpA, clB, cpB = bounds[i]
                baseA = plsc.cumsum(dA[sl]) + b_c[2 * i]
                baseB = plsc.cumsum(dB[sl]) + b_c[2 * i + 1]
                h1 = jnp.where(p >= clA, top, jnp.where(p >= cpA, h1, baseA))
                h2 = jnp.where(p >= clB, top, jnp.where(p >= cpB, h2, baseB))
                dd = h1 - h2
                new_acc.append(acc[i] + dd * dd)
                new_b.append(_lane_bcast(baseA, _LANES - 1))
                new_b.append(_lane_bcast(baseB, _LANES - 1))
            return (tuple(new_b), tuple(new_acc))

        _, acc = lax.fori_loop(0, _NCHUNK, abody,
                               ((zeros,) * 6, (zeros,) * 3))

        s = zeros
        for i in range(3):
            s = jnp.where(lanes == i,
                          jnp.broadcast_to(jnp.sum(acc[i]), (_LANES,)), s)
        x = jnp.maximum(s, jnp.full((_LANES,), 1e-30, jnp.float32))
        zi = 0x5F3759DF - (lax.bitcast_convert_type(x, jnp.int32) >> 1)
        z = lax.bitcast_convert_type(zi, jnp.float32)
        for _ in range(3):
            z = z * (1.5 - 0.5 * x * z * z)
        y = jnp.where(lanes < 3, x * z, zeros)
        resv[...] = jnp.broadcast_to(jnp.sum(y), (_LANES,))
        pltpu.sync_copy(resv, out_hbm)


@jax.jit
def kernel(target, output):
    f = pl.kernel(
        _sc_body,
        out_type=jax.ShapeDtypeStruct((_LANES,), jnp.float32),
        mesh=plsc.VectorSubcoreMesh(core_axis_name="c", subcore_axis_name="s"),
        scratch_types=[
            pltpu.VMEM((3 * _L,), jnp.float32),
            pltpu.VMEM((3 * _L,), jnp.float32),
            pltpu.VMEM((_L,), jnp.float32),
            pltpu.VMEM((_L,), jnp.float32),
            pltpu.VMEM((_L,), jnp.float32),
            pltpu.VMEM((_L,), jnp.float32),
            pltpu.VMEM((_L,), jnp.float32),
            pltpu.VMEM((_L,), jnp.float32),
            pltpu.VMEM((_LANES,), jnp.float32),
            pltpu.SemaphoreType.DMA,
            pltpu.SemaphoreType.DMA,
        ],
        compiler_params=pltpu.CompilerParams(needs_layout_passes=False),
    )
    return f(target.reshape(-1), output.reshape(-1))[0]

# --- scband reference (transcript-rebuilt; emitter-appended) ---
"""Pipeline reference for scband-l2loss-67327907332547 (READ-ONLY COPY).

The authoritative reference and input builder live on the scoring server;
editing this copy changes nothing except your own understanding.
"""

import jax, jax.numpy as jnp
import numpy as np

P = 224 * 224


def setup_inputs(seed: int = 0) -> dict:
    key = jax.random.key(seed)
    k1, k2 = jax.random.split(key)
    target = jax.random.uniform(k1, (3, 256, 1), dtype=jnp.float32)
    output = jax.random.uniform(k2, (3, 256, 1), dtype=jnp.float32)
    return {"target": target, "output": output}


def _fill_hist(h_prev, cum_int, L):
    # Faithful vectorization of the sequential slice-assignment loop:
    #   j == 0        : h[:cum[0]] = 0
    #   0 < j < L-1   : h[cum[j-1]:cum[j]] = j
    #   j == L-1      : h[cum[L-1]:] = L-1  (region [cum[L-2], cum[L-1]) is NOT
    #                   written by the last iteration, so it retains the previous
    #                   contents of the persistent buffer h_prev)
    p = jnp.arange(P, dtype=jnp.int32)
    base = jnp.searchsorted(cum_int, p, side='right').astype(h_prev.dtype)
    h = jnp.where(
        p >= cum_int[-1],
        jnp.asarray(L - 1, h_prev.dtype),
        jnp.where(p >= cum_int[-2], h_prev, base),
    )
    return h


def reference(target, output):
    L = target.shape[1]
    h1 = jnp.zeros((P,), jnp.float32)  # self.h1 starts as zeros
    h2 = jnp.zeros((P,), jnp.float32)  # self.h2 starts as zeros
    loss = jnp.asarray(0.0, jnp.float32)
    for i in range(3):
        # np.cumsum(target[i]) flattens the [L, 1] slice to [L]
        ct = jnp.cumsum(target[i].reshape(-1))
        co = jnp.cumsum(output[i].reshape(-1))
        # int(...) truncation on nonnegative cumsums == astype(int32)
        ct_i = jax.lax.stop_gradient(ct).astype(jnp.int32)
        co_i = jax.lax.stop_gradient(co).astype(jnp.int32)
        h1 = _fill_hist(h1, ct_i, L)
        h2 = _fill_hist(h2, co_i, L)
        loss = loss + jnp.sqrt(jnp.sum(jnp.square(jnp.abs(h1 - h2))))
    return loss

if __name__ == "__main__":
    import jax
    _d = setup_inputs()
    print(jax.jit(kernel)(*tuple(_d.values())))

</pallas_src>

<mosaic_0001>
#map = affine_map<(d0, d1) -> (0)>
module attributes {stable_mosaic.version = 14 : i64} {
  func.func @_sc_body(%arg0: i32, %arg1: i32, %arg2: memref<768xf32, #tpu.memory_space<hbm>>, %arg3: memref<768xf32, #tpu.memory_space<hbm>>, %arg4: memref<16xf32, #tpu.memory_space<hbm>>, %arg5: memref<768xf32, #tpu.memory_space<vmem>>, %arg6: memref<768xf32, #tpu.memory_space<vmem>>, %arg7: memref<256xf32, #tpu.memory_space<vmem>>, %arg8: memref<256xf32, #tpu.memory_space<vmem>>, %arg9: memref<256xf32, #tpu.memory_space<vmem>>, %arg10: memref<256xf32, #tpu.memory_space<vmem>>, %arg11: memref<256xf32, #tpu.memory_space<vmem>>, %arg12: memref<256xf32, #tpu.memory_space<vmem>>, %arg13: memref<16xf32, #tpu.memory_space<vmem>>, %arg14: memref<!tpu.dma_semaphore, #tpu.memory_space<semaphore_mem>>, %arg15: memref<!tpu.dma_semaphore, #tpu.memory_space<semaphore_mem>>) attributes {dimension_semantics = [#tpu.dimension_semantics<core_parallel>, #tpu.dimension_semantics<subcore_parallel>], iteration_bounds = array<i64: 2, 16>, scalar_prefetch = 0 : i64, scratch_operands = 11 : i64, tpu.core_type = #tpu.core_type<sc_vector_subcore>, window_params = [{transform_indices = #map}, {transform_indices = #map}, {transform_indices = #map}]} {
    %eq3A = arith.constant 0 : i32
    %eq3A_0 = arith.cmpi eq, %arg0, %eq3A : i32
    %eq3A_1 = arith.constant 0 : i32
    %eq3A_2 = arith.cmpi eq, %arg1, %eq3A_1 : i32
    %and3A = arith.andi %eq3A_0, %eq3A_2 : i1
    %convert_element_type3A = arith.extui %and3A : i1 to i32
    %cond3A = arith.constant 0 : i32
    %cond3A_3 = arith.cmpi ne, %convert_element_type3A, %cond3A : i32
    scf.if %cond3A_3 {
      tpu.enqueue_dma source(%arg2 : memref<768xf32, #tpu.memory_space<hbm>>) target(%arg5 : memref<768xf32, #tpu.memory_space<vmem>>) target_semaphore(%arg14 : memref<!tpu.dma_semaphore, #tpu.memory_space<semaphore_mem>>)
      tpu.enqueue_dma source(%arg3 : memref<768xf32, #tpu.memory_space<hbm>>) target(%arg6 : memref<768xf32, #tpu.memory_space<vmem>>) target_semaphore(%arg15 : memref<!tpu.dma_semaphore, #tpu.memory_space<semaphore_mem>>)
      %iota3A = tpu.iota {dimensions = array<i32: 0>} : vector<16xi32>
      %broadcast_in_dim3A = arith.constant 0.000000e+00 : f32
      %broadcast_in_dim3A_4 = vector.broadcast %broadcast_in_dim3A : f32 to vector<16xf32>
      %broadcast_in_dim3A_5 = arith.constant 0 : i32
      %broadcast_in_dim3A_6 = vector.broadcast %broadcast_in_dim3A_5 : i32 to vector<16xi32>
      %broadcast_in_dim3A_7 = arith.constant 1.000000e+00 : f32
      %broadcast_in_dim3A_8 = vector.broadcast %broadcast_in_dim3A_7 : f32 to vector<16xf32>
      %broadcast_in_dim3A_9 = arith.constant 2.550000e+02 : f32
      %broadcast_in_dim3A_10 = vector.broadcast %broadcast_in_dim3A_9 : f32 to vector<16xf32>
      %scan3A = arith.constant 0 : i32
      %scan3A_11 = arith.constant 0 : i32
      %scan3A_12 = arith.constant 16 : i32
      %scan3A_13 = arith.addi %scan3A_11, %scan3A_12 : i32
      %scan3A_14 = arith.constant 1 : i32
      %scan3A_15 = scf.for %scan3A_238 = %scan3A_11 to %scan3A_13 step %scan3A_14 iter_args(%scan3A_239 = %scan3A) -> (i32)  : i32 {
        %mul3A_240 = arith.constant 16 : i32
        %mul3A_241 = arith.muli %scan3A_238, %mul3A_240 : i32
        %swap3A_242 = arith.index_cast %mul3A_241 : i32 to index
        %swap3A_243 = tpu.vector_load %arg7[%swap3A_242] {strides = array<i32>} : memref<256xf32, #tpu.memory_space<vmem>>, vector<16xf32>,
        tpu.vector_store %arg7[%swap3A_242], %broadcast_in_dim3A_4 {strides = array<i32>} : memref<256xf32, #tpu.memory_space<vmem>>, vector<16xf32>,
        %swap3A_244 = arith.index_cast %mul3A_241 : i32 to index
        %swap3A_245 = tpu.vector_load %arg8[%swap3A_244] {strides = array<i32>} : memref<256xf32, #tpu.memory_space<vmem>>, vector<16xf32>,
        tpu.vector_store %arg8[%swap3A_244], %broadcast_in_dim3A_4 {strides = array<i32>} : memref<256xf32, #tpu.memory_space<vmem>>, vector<16xf32>,
        %swap3A_246 = arith.index_cast %mul3A_241 : i32 to index
        %swap3A_247 = tpu.vector_load %arg9[%swap3A_246] {strides = array<i32>} : memref<256xf32, #tpu.memory_space<vmem>>, vector<16xf32>,
        tpu.vector_store %arg9[%swap3A_246], %broadcast_in_dim3A_4 {strides = array<i32>} : memref<256xf32, #tpu.memory_space<vmem>>, vector<16xf32>,
        %swap3A_248 = arith.index_cast %mul3A_241 : i32 to index
        %swap3A_249 = tpu.vector_load %arg10[%swap3A_248] {strides = array<i32>} : memref<256xf32, #tpu.memory_space<vmem>>, vector<16xf32>,
        tpu.vector_store %arg10[%swap3A_248], %broadcast_in_dim3A_4 {strides = array<i32>} : memref<256xf32, #tpu.memory_space<vmem>>, vector<16xf32>,
        %swap3A_250 = arith.index_cast %mul3A_241 : i32 to index
        %swap3A_251 = tpu.vector_load %arg11[%swap3A_250] {strides = array<i32>} : memref<256xf32, #tpu.memory_space<vmem>>, vector<16xf32>,
        tpu.vector_store %arg11[%swap3A_250], %broadcast_in_dim3A_4 {strides = array<i32>} : memref<256xf32, #tpu.memory_space<vmem>>, vector<16xf32>,
        %swap3A_252 = arith.index_cast %mul3A_241 : i32 to index
        %swap3A_253 = tpu.vector_load %arg12[%swap3A_252] {strides = array<i32>} : memref<256xf32, #tpu.memory_space<vmem>>, vector<16xf32>,
        tpu.vector_store %arg12[%swap3A_252], %broadcast_in_dim3A_4 {strides = array<i32>} : memref<256xf32, #tpu.memory_space<vmem>>, vector<16xf32>,
        %scan3A_254 = arith.constant 0 : i32
        scf.yield %scan3A_254 : i32
      }
      %scan3A_16 = arith.constant 16 : i32
      tpu.wait_dma2 semaphore(%arg14 : memref<!tpu.dma_semaphore, #tpu.memory_space<semaphore_mem>>) src(%arg2 : memref<768xf32, #tpu.memory_space<hbm>>) dst(%arg5 : memref<768xf32, #tpu.memory_space<vmem>>)
      tpu.wait_dma2 semaphore(%arg15 : memref<!tpu.dma_semaphore, #tpu.memory_space<semaphore_mem>>) src(%arg3 : memref<768xf32, #tpu.memory_space<hbm>>) dst(%arg6 : memref<768xf32, #tpu.memory_space<vmem>>)
      %scan3A_17 = arith.constant 0 : i32
      %scan3A_18 = arith.constant 16 : i32
      %scan3A_19 = arith.addi %scan3A_17, %scan3A_18 : i32
      %scan3A_20 = arith.constant 1 : i32
      %scan3A_21:2 = scf.for %scan3A_238 = %scan3A_17 to %scan3A_19 step %scan3A_20 iter_args(%scan3A_239 = %broadcast_in_dim3A_4, %scan3A_240 = %broadcast_in_dim3A_4) -> (vector<16xf32>, vector<16xf32>)  : i32 {
        %mul3A_241 = arith.constant 16 : i32
        %mul3A_242 = arith.muli %scan3A_238, %mul3A_241 : i32
        %add3A = arith.constant 0 : i32
        %add3A_243 = arith.addi %add3A, %mul3A_242 : i32
        %get3A_244 = arith.index_cast %add3A_243 : i32 to index
        %get3A_245 = tpu.vector_load %arg5[%get3A_244] {strides = array<i32>} : memref<768xf32, #tpu.memory_space<vmem>>, vector<16xf32>,
        %broadcast_in_dim3A_246 = arith.constant true
        %broadcast_in_dim3A_247 = vector.broadcast %broadcast_in_dim3A_246 : i1 to vector<16xi1>
        %masked_cumsum3A = tpu.scan <sum>, %get3A_245 masked %broadcast_in_dim3A_247 : vector<16xf32>, vector<16xi1> -> vector<16xf32>
        %add3A_248 = arith.addf %masked_cumsum3A, %scan3A_239 : vector<16xf32>
        %get3A_249 = arith.index_cast %add3A_243 : i32 to index
        %get3A_250 = tpu.vector_load %arg6[%get3A_249] {strides = array<i32>} : memref<768xf32, #tpu.memory_space<vmem>>, vector<16xf32>,
        %broadcast_in_dim3A_251 = arith.constant true
        %broadcast_in_dim3A_252 = vector.broadcast %broadcast_in_dim3A_251 : i1 to vector<16xi1>
        %masked_cumsum3A_253 = tpu.scan <sum>, %get3A_250 masked %broadcast_in_dim3A_252 : vector<16xf32>, vector<16xi1> -> vector<16xf32>
        %add3A_254 = arith.addf %masked_cumsum3A_253, %scan3A_240 : vector<16xf32>
        %convert_element_type3A_255 = arith.fptosi %add3A_248 : vector<16xf32> to vector<16xi32>
        %convert_element_type3A_256 = arith.sitofp %convert_element_type3A_255 : vector<16xi32> to vector<16xf32>
        %gt3A_257 = arith.cmpf ogt, %convert_element_type3A_256, %add3A_248 : vector<16xf32>
        %sub3A_258 = arith.constant 1 : i32
        %sub3A_259 = vector.broadcast %sub3A_258 : i32 to vector<16xi32>
        %sub3A_260 = arith.subi %convert_element_type3A_255, %sub3A_259 : vector<16xi32>
        %select_n3A_261 = arith.select %gt3A_257, %sub3A_260, %convert_element_type3A_255 : vector<16xi1>, vector<16xi32>
        tpu.vector_store_idx %arg7[%select_n3A_261], %broadcast_in_dim3A_8 {add = true} : memref<256xf32, #tpu.memory_space<vmem>>[vector<16xi32>], vector<16xf32>,
        %convert_element_type3A_262 = arith.fptosi %add3A_254 : vector<16xf32> to vector<16xi32>
        %convert_element_type3A_263 = arith.sitofp %convert_element_type3A_262 : vector<16xi32> to vector<16xf32>
        %gt3A_264 = arith.cmpf ogt, %convert_element_type3A_263, %add3A_254 : vector<16xf32>
        %sub3A_265 = arith.constant 1 : i32
        %sub3A_266 = vector.broadcast %sub3A_265 : i32 to vector<16xi32>
        %sub3A_267 = arith.subi %convert_element_type3A_262, %sub3A_266 : vector<16xi32>
        %select_n3A_268 = arith.select %gt3A_264, %sub3A_267, %convert_element_type3A_262 : vector<16xi1>, vector<16xi32>
        tpu.vector_store_idx %arg10[%select_n3A_268], %broadcast_in_dim3A_8 {add = true} : memref<256xf32, #tpu.memory_space<vmem>>[vector<16xi32>], vector<16xf32>,
        %broadcast_in_dim3A_269 = arith.constant 15 : i32
        %broadcast_in_dim3A_270 = vector.broadcast %broadcast_in_dim3A_269 : i32 to vector<16xi32>
        %broadcast_in_dim3A_271 = vector.shape_cast %broadcast_in_dim3A_270 : vector<16xi32> to vector<16x1xi32>
        %gather3A_272 = vector.shape_cast %broadcast_in_dim3A_271 : vector<16x1xi32> to vector<16xi32>
        %gather3A_273 = tpu.dynamic_gather %add3A_248[%gather3A_272] in [0] : vector<16xf32>, vector<16xi32> -> vector<16xf32>
        %broadcast_in_dim3A_274 = arith.constant 15 : i32
        %broadcast_in_dim3A_275 = vector.broadcast %broadcast_in_dim3A_274 : i32 to vector<16xi32>
        %broadcast_in_dim3A_276 = vector.shape_cast %broadcast_in_dim3A_275 : vector<16xi32> to vector<16x1xi32>
        %gather3A_277 = vector.shape_cast %broadcast_in_dim3A_276 : vector<16x1xi32> to vector<16xi32>
        %gather3A_278 = tpu.dynamic_gather %add3A_254[%gather3A_277] in [0] : vector<16xf32>, vector<16xi32> -> vector<16xf32>
        scf.yield %gather3A_273, %gather3A_278 : vector<16xf32>, vector<16xf32>
      }
      %scan3A_22 = arith.constant 16 : i32
      %get3A = arith.constant 240 : index
      %get3A_23 = tpu.vector_load %arg5[%get3A] {strides = array<i32>} : memref<768xf32, #tpu.memory_space<vmem>>, vector<16xf32>,
      %broadcast_in_dim3A_24 = arith.constant 15 : i32
      %broadcast_in_dim3A_25 = vector.broadcast %broadcast_in_dim3A_24 : i32 to vector<16xi32>
      %broadcast_in_dim3A_26 = vector.shape_cast %broadcast_in_dim3A_25 : vector<16xi32> to vector<16x1xi32>
      %gather3A = vector.shape_cast %broadcast_in_dim3A_26 : vector<16x1xi32> to vector<16xi32>
      %gather3A_27 = tpu.dynamic_gather %get3A_23[%gather3A] in [0] : vector<16xf32>, vector<16xi32> -> vector<16xf32>
      %get3A_28 = arith.constant 240 : index
      %get3A_29 = tpu.vector_load %arg6[%get3A_28] {strides = array<i32>} : memref<768xf32, #tpu.memory_space<vmem>>, vector<16xf32>,
      %broadcast_in_dim3A_30 = arith.constant 15 : i32
      %broadcast_in_dim3A_31 = vector.broadcast %broadcast_in_dim3A_30 : i32 to vector<16xi32>
      %broadcast_in_dim3A_32 = vector.shape_cast %broadcast_in_dim3A_31 : vector<16xi32> to vector<16x1xi32>
      %gather3A_33 = vector.shape_cast %broadcast_in_dim3A_32 : vector<16x1xi32> to vector<16xi32>
      %gather3A_34 = tpu.dynamic_gather %get3A_29[%gather3A_33] in [0] : vector<16xf32>, vector<16xi32> -> vector<16xf32>
      %convert_element_type3A_35 = arith.fptosi %scan3A_21#0 : vector<16xf32> to vector<16xi32>
      %convert_element_type3A_36 = arith.sitofp %convert_element_type3A_35 : vector<16xi32> to vector<16xf32>
      %gt3A = arith.cmpf ogt, %convert_element_type3A_36, %scan3A_21#0 : vector<16xf32>
      %sub3A = arith.constant 1 : i32
      %sub3A_37 = vector.broadcast %sub3A : i32 to vector<16xi32>
      %sub3A_38 = arith.subi %convert_element_type3A_35, %sub3A_37 : vector<16xi32>
      %select_n3A = arith.select %gt3A, %sub3A_38, %convert_element_type3A_35 : vector<16xi1>, vector<16xi32>
      %sub3A_39 = arith.subf %scan3A_21#0, %gather3A_27 : vector<16xf32>
      %convert_element_type3A_40 = arith.fptosi %sub3A_39 : vector<16xf32> to vector<16xi32>
      %convert_element_type3A_41 = arith.sitofp %convert_element_type3A_40 : vector<16xi32> to vector<16xf32>
      %gt3A_42 = arith.cmpf ogt, %convert_element_type3A_41, %sub3A_39 : vector<16xf32>
      %sub3A_43 = arith.constant 1 : i32
      %sub3A_44 = vector.broadcast %sub3A_43 : i32 to vector<16xi32>
      %sub3A_45 = arith.subi %convert_element_type3A_40, %sub3A_44 : vector<16xi32>
      %select_n3A_46 = arith.select %gt3A_42, %sub3A_45, %convert_element_type3A_40 : vector<16xi1>, vector<16xi32>
      %convert_element_type3A_47 = arith.fptosi %scan3A_21#1 : vector<16xf32> to vector<16xi32>
      %convert_element_type3A_48 = arith.sitofp %convert_element_type3A_47 : vector<16xi32> to vector<16xf32>
      %gt3A_49 = arith.cmpf ogt, %convert_element_type3A_48, %scan3A_21#1 : vector<16xf32>
      %sub3A_50 = arith.constant 1 : i32
      %sub3A_51 = vector.broadcast %sub3A_50 : i32 to vector<16xi32>
      %sub3A_52 = arith.subi %convert_element_type3A_47, %sub3A_51 : vector<16xi32>
      %select_n3A_53 = arith.select %gt3A_49, %sub3A_52, %convert_element_type3A_47 : vector<16xi1>, vector<16xi32>
      %sub3A_54 = arith.subf %scan3A_21#1, %gather3A_34 : vector<16xf32>
      %convert_element_type3A_55 = arith.fptosi %sub3A_54 : vector<16xf32> to vector<16xi32>
      %convert_element_type3A_56 = arith.sitofp %convert_element_type3A_55 : vector<16xi32> to vector<16xf32>
      %gt3A_57 = arith.cmpf ogt, %convert_element_type3A_56, %sub3A_54 : vector<16xf32>
      %sub3A_58 = arith.constant 1 : i32
      %sub3A_59 = vector.broadcast %sub3A_58 : i32 to vector<16xi32>
      %sub3A_60 = arith.subi %convert_element_type3A_55, %sub3A_59 : vector<16xi32>
      %select_n3A_61 = arith.select %gt3A_57, %sub3A_60, %convert_element_type3A_55 : vector<16xi1>, vector<16xi32>
      %scan3A_62 = arith.constant 0 : i32
      %scan3A_63 = arith.constant 16 : i32
      %scan3A_64 = arith.addi %scan3A_62, %scan3A_63 : i32
      %scan3A_65 = arith.constant 1 : i32
      %scan3A_66:2 = scf.for %scan3A_238 = %scan3A_62 to %scan3A_64 step %scan3A_65 iter_args(%scan3A_239 = %broadcast_in_dim3A_4, %scan3A_240 = %broadcast_in_dim3A_4) -> (vector<16xf32>, vector<16xf32>)  : i32 {
        %mul3A_241 = arith.constant 16 : i32
        %mul3A_242 = arith.muli %scan3A_238, %mul3A_241 : i32
        %add3A = arith.constant 256 : i32
        %add3A_243 = arith.addi %add3A, %mul3A_242 : i32
        %get3A_244 = arith.index_cast %add3A_243 : i32 to index
        %get3A_245 = tpu.vector_load %arg5[%get3A_244] {strides = array<i32>} : memref<768xf32, #tpu.memory_space<vmem>>, vector<16xf32>,
        %broadcast_in_dim3A_246 = arith.constant true
        %broadcast_in_dim3A_247 = vector.broadcast %broadcast_in_dim3A_246 : i1 to vector<16xi1>
        %masked_cumsum3A = tpu.scan <sum>, %get3A_245 masked %broadcast_in_dim3A_247 : vector<16xf32>, vector<16xi1> -> vector<16xf32>
        %add3A_248 = arith.addf %masked_cumsum3A, %scan3A_239 : vector<16xf32>
        %get3A_249 = arith.index_cast %add3A_243 : i32 to index
        %get3A_250 = tpu.vector_load %arg6[%get3A_249] {strides = array<i32>} : memref<768xf32, #tpu.memory_space<vmem>>, vector<16xf32>,
        %broadcast_in_dim3A_251 = arith.constant true
        %broadcast_in_dim3A_252 = vector.broadcast %broadcast_in_dim3A_251 : i1 to vector<16xi1>
        %masked_cumsum3A_253 = tpu.scan <sum>, %get3A_250 masked %broadcast_in_dim3A_252 : vector<16xf32>, vector<16xi1> -> vector<16xf32>
        %add3A_254 = arith.addf %masked_cumsum3A_253, %scan3A_240 : vector<16xf32>
        %convert_element_type3A_255 = arith.fptosi %add3A_248 : vector<16xf32> to vector<16xi32>
        %convert_element_type3A_256 = arith.sitofp %convert_element_type3A_255 : vector<16xi32> to vector<16xf32>
        %gt3A_257 = arith.cmpf ogt, %convert_element_type3A_256, %add3A_248 : vector<16xf32>
        %sub3A_258 = arith.constant 1 : i32
        %sub3A_259 = vector.broadcast %sub3A_258 : i32 to vector<16xi32>
        %sub3A_260 = arith.subi %convert_element_type3A_255, %sub3A_259 : vector<16xi32>
        %select_n3A_261 = arith.select %gt3A_257, %sub3A_260, %convert_element_type3A_255 : vector<16xi1>, vector<16xi32>
        tpu.vector_store_idx %arg8[%select_n3A_261], %broadcast_in_dim3A_8 {add = true} : memref<256xf32, #tpu.memory_space<vmem>>[vector<16xi32>], vector<16xf32>,
        %convert_element_type3A_262 = arith.fptosi %add3A_254 : vector<16xf32> to vector<16xi32>
        %convert_element_type3A_263 = arith.sitofp %convert_element_type3A_262 : vector<16xi32> to vector<16xf32>
        %gt3A_264 = arith.cmpf ogt, %convert_element_type3A_263, %add3A_254 : vector<16xf32>
        %sub3A_265 = arith.constant 1 : i32
        %sub3A_266 = vector.broadcast %sub3A_265 : i32 to vector<16xi32>
        %sub3A_267 = arith.subi %convert_element_type3A_262, %sub3A_266 : vector<16xi32>
        %select_n3A_268 = arith.select %gt3A_264, %sub3A_267, %convert_element_type3A_262 : vector<16xi1>, vector<16xi32>
        tpu.vector_store_idx %arg11[%select_n3A_268], %broadcast_in_dim3A_8 {add = true} : memref<256xf32, #tpu.memory_space<vmem>>[vector<16xi32>], vector<16xf32>,
        %broadcast_in_dim3A_269 = arith.constant 15 : i32
        %broadcast_in_dim3A_270 = vector.broadcast %broadcast_in_dim3A_269 : i32 to vector<16xi32>
        %broadcast_in_dim3A_271 = vector.shape_cast %broadcast_in_dim3A_270 : vector<16xi32> to vector<16x1xi32>
        %gather3A_272 = vector.shape_cast %broadcast_in_dim3A_271 : vector<16x1xi32> to vector<16xi32>
        %gather3A_273 = tpu.dynamic_gather %add3A_248[%gather3A_272] in [0] : vector<16xf32>, vector<16xi32> -> vector<16xf32>
        %broadcast_in_dim3A_274 = arith.constant 15 : i32
        %broadcast_in_dim3A_275 = vector.broadcast %broadcast_in_dim3A_274 : i32 to vector<16xi32>
        %broadcast_in_dim3A_276 = vector.shape_cast %broadcast_in_dim3A_275 : vector<16xi32> to vector<16x1xi32>
        %gather3A_277 = vector.shape_cast %broadcast_in_dim3A_276 : vector<16x1xi32> to vector<16xi32>
        %gather3A_278 = tpu.dynamic_gather %add3A_254[%gather3A_277] in [0] : vector<16xf32>, vector<16xi32> -> vector<16xf32>
        scf.yield %gather3A_273, %gather3A_278 : vector<16xf32>, vector<16xf32>
      }
      %scan3A_67 = arith.constant 16 : i32
      %get3A_68 = arith.constant 496 : index
      %get3A_69 = tpu.vector_load %arg5[%get3A_68] {strides = array<i32>} : memref<768xf32, #tpu.memory_space<vmem>>, vector<16xf32>,
      %broadcast_in_dim3A_70 = arith.constant 15 : i32
      %broadcast_in_dim3A_71 = vector.broadcast %broadcast_in_dim3A_70 : i32 to vector<16xi32>
      %broadcast_in_dim3A_72 = vector.shape_cast %broadcast_in_dim3A_71 : vector<16xi32> to vector<16x1xi32>
      %gather3A_73 = vector.shape_cast %broadcast_in_dim3A_72 : vector<16x1xi32> to vector<16xi32>
      %gather3A_74 = tpu.dynamic_gather %get3A_69[%gather3A_73] in [0] : vector<16xf32>, vector<16xi32> -> vector<16xf32>
      %get3A_75 = arith.constant 496 : index
      %get3A_76 = tpu.vector_load %arg6[%get3A_75] {strides = array<i32>} : memref<768xf32, #tpu.memory_space<vmem>>, vector<16xf32>,
      %broadcast_in_dim3A_77 = arith.constant 15 : i32
      %broadcast_in_dim3A_78 = vector.broadcast %broadcast_in_dim3A_77 : i32 to vector<16xi32>
      %broadcast_in_dim3A_79 = vector.shape_cast %broadcast_in_dim3A_78 : vector<16xi32> to vector<16x1xi32>
      %gather3A_80 = vector.shape_cast %broadcast_in_dim3A_79 : vector<16x1xi32> to vector<16xi32>
      %gather3A_81 = tpu.dynamic_gather %get3A_76[%gather3A_80] in [0] : vector<16xf32>, vector<16xi32> -> vector<16xf32>
      %convert_element_type3A_82 = arith.fptosi %scan3A_66#0 : vector<16xf32> to vector<16xi32>
      %convert_element_type3A_83 = arith.sitofp %convert_element_type3A_82 : vector<16xi32> to vector<16xf32>
      %gt3A_84 = arith.cmpf ogt, %convert_element_type3A_83, %scan3A_66#0 : vector<16xf32>
      %sub3A_85 = arith.constant 1 : i32
      %sub3A_86 = vector.broadcast %sub3A_85 : i32 to vector<16xi32>
      %sub3A_87 = arith.subi %convert_element_type3A_82, %sub3A_86 : vector<16xi32>
      %select_n3A_88 = arith.select %gt3A_84, %sub3A_87, %convert_element_type3A_82 : vector<16xi1>, vector<16xi32>
      %sub3A_89 = arith.subf %scan3A_66#0, %gather3A_74 : vector<16xf32>
      %convert_element_type3A_90 = arith.fptosi %sub3A_89 : vector<16xf32> to vector<16xi32>
      %convert_element_type3A_91 = arith.sitofp %convert_element_type3A_90 : vector<16xi32> to vector<16xf32>
      %gt3A_92 = arith.cmpf ogt, %convert_element_type3A_91, %sub3A_89 : vector<16xf32>
      %sub3A_93 = arith.constant 1 : i32
      %sub3A_94 = vector.broadcast %sub3A_93 : i32 to vector<16xi32>
      %sub3A_95 = arith.subi %convert_element_type3A_90, %sub3A_94 : vector<16xi32>
      %select_n3A_96 = arith.select %gt3A_92, %sub3A_95, %convert_element_type3A_90 : vector<16xi1>, vector<16xi32>
      %convert_element_type3A_97 = arith.fptosi %scan3A_66#1 : vector<16xf32> to vector<16xi32>
      %convert_element_type3A_98 = arith.sitofp %convert_element_type3A_97 : vector<16xi32> to vector<16xf32>
      %gt3A_99 = arith.cmpf ogt, %convert_element_type3A_98, %scan3A_66#1 : vector<16xf32>
      %sub3A_100 = arith.constant 1 : i32
      %sub3A_101 = vector.broadcast %sub3A_100 : i32 to vector<16xi32>
      %sub3A_102 = arith.subi %convert_element_type3A_97, %sub3A_101 : vector<16xi32>
      %select_n3A_103 = arith.select %gt3A_99, %sub3A_102, %convert_element_type3A_97 : vector<16xi1>, vector<16xi32>
      %sub3A_104 = arith.subf %scan3A_66#1, %gather3A_81 : vector<16xf32>
      %convert_element_type3A_105 = arith.fptosi %sub3A_104 : vector<16xf32> to vector<16xi32>
      %convert_element_type3A_106 = arith.sitofp %convert_element_type3A_105 : vector<16xi32> to vector<16xf32>
      %gt3A_107 = arith.cmpf ogt, %convert_element_type3A_106, %sub3A_104 : vector<16xf32>
      %sub3A_108 = arith.constant 1 : i32
      %sub3A_109 = vector.broadcast %sub3A_108 : i32 to vector<16xi32>
      %sub3A_110 = arith.subi %convert_element_type3A_105, %sub3A_109 : vector<16xi32>
      %select_n3A_111 = arith.select %gt3A_107, %sub3A_110, %convert_element_type3A_105 : vector<16xi1>, vector<16xi32>
      %scan3A_112 = arith.constant 0 : i32
      %scan3A_113 = arith.constant 16 : i32
      %scan3A_114 = arith.addi %scan3A_112, %scan3A_113 : i32
      %scan3A_115 = arith.constant 1 : i32
      %scan3A_116:2 = scf.for %scan3A_238 = %scan3A_112 to %scan3A_114 step %scan3A_115 iter_args(%scan3A_239 = %broadcast_in_dim3A_4, %scan3A_240 = %broadcast_in_dim3A_4) -> (vector<16xf32>, vector<16xf32>)  : i32 {
        %mul3A_241 = arith.constant 16 : i32
        %mul3A_242 = arith.muli %scan3A_238, %mul3A_241 : i32
        %add3A = arith.constant 512 : i32
        %add3A_243 = arith.addi %add3A, %mul3A_242 : i32
        %get3A_244 = arith.index_cast %add3A_243 : i32 to index
        %get3A_245 = tpu.vector_load %arg5[%get3A_244] {strides = array<i32>} : memref<768xf32, #tpu.memory_space<vmem>>, vector<16xf32>,
        %broadcast_in_dim3A_246 = arith.constant true
        %broadcast_in_dim3A_247 = vector.broadcast %broadcast_in_dim3A_246 : i1 to vector<16xi1>
        %masked_cumsum3A = tpu.scan <sum>, %get3A_245 masked %broadcast_in_dim3A_247 : vector<16xf32>, vector<16xi1> -> vector<16xf32>
        %add3A_248 = arith.addf %masked_cumsum3A, %scan3A_239 : vector<16xf32>
        %get3A_249 = arith.index_cast %add3A_243 : i32 to index
        %get3A_250 = tpu.vector_load %arg6[%get3A_249] {strides = array<i32>} : memref<768xf32, #tpu.memory_space<vmem>>, vector<16xf32>,
        %broadcast_in_dim3A_251 = arith.constant true
        %broadcast_in_dim3A_252 = vector.broadcast %broadcast_in_dim3A_251 : i1 to vector<16xi1>
        %masked_cumsum3A_253 = tpu.scan <sum>, %get3A_250 masked %broadcast_in_dim3A_252 : vector<16xf32>, vector<16xi1> -> vector<16xf32>
        %add3A_254 = arith.addf %masked_cumsum3A_253, %scan3A_240 : vector<16xf32>
        %convert_element_type3A_255 = arith.fptosi %add3A_248 : vector<16xf32> to vector<16xi32>
        %convert_element_type3A_256 = arith.sitofp %convert_element_type3A_255 : vector<16xi32> to vector<16xf32>
        %gt3A_257 = arith.cmpf ogt, %convert_element_type3A_256, %add3A_248 : vector<16xf32>
        %sub3A_258 = arith.constant 1 : i32
        %sub3A_259 = vector.broadcast %sub3A_258 : i32 to vector<16xi32>
        %sub3A_260 = arith.subi %convert_element_type3A_255, %sub3A_259 : vector<16xi32>
        %select_n3A_261 = arith.select %gt3A_257, %sub3A_260, %convert_element_type3A_255 : vector<16xi1>, vector<16xi32>
        tpu.vector_store_idx %arg9[%select_n3A_261], %broadcast_in_dim3A_8 {add = true} : memref<256xf32, #tpu.memory_space<vmem>>[vector<16xi32>], vector<16xf32>,
        %convert_element_type3A_262 = arith.fptosi %add3A_254 : vector<16xf32> to vector<16xi32>
        %convert_element_type3A_263 = arith.sitofp %convert_element_type3A_262 : vector<16xi32> to vector<16xf32>
        %gt3A_264 = arith.cmpf ogt, %convert_element_type3A_263, %add3A_254 : vector<16xf32>
        %sub3A_265 = arith.constant 1 : i32
        %sub3A_266 = vector.broadcast %sub3A_265 : i32 to vector<16xi32>
        %sub3A_267 = arith.subi %convert_element_type3A_262, %sub3A_266 : vector<16xi32>
        %select_n3A_268 = arith.select %gt3A_264, %sub3A_267, %convert_element_type3A_262 : vector<16xi1>, vector<16xi32>
        tpu.vector_store_idx %arg12[%select_n3A_268], %broadcast_in_dim3A_8 {add = true} : memref<256xf32, #tpu.memory_space<vmem>>[vector<16xi32>], vector<16xf32>,
        %broadcast_in_dim3A_269 = arith.constant 15 : i32
        %broadcast_in_dim3A_270 = vector.broadcast %broadcast_in_dim3A_269 : i32 to vector<16xi32>
        %broadcast_in_dim3A_271 = vector.shape_cast %broadcast_in_dim3A_270 : vector<16xi32> to vector<16x1xi32>
        %gather3A_272 = vector.shape_cast %broadcast_in_dim3A_271 : vector<16x1xi32> to vector<16xi32>
        %gather3A_273 = tpu.dynamic_gather %add3A_248[%gather3A_272] in [0] : vector<16xf32>, vector<16xi32> -> vector<16xf32>
        %broadcast_in_dim3A_274 = arith.constant 15 : i32
        %broadcast_in_dim3A_275 = vector.broadcast %broadcast_in_dim3A_274 : i32 to vector<16xi32>
        %broadcast_in_dim3A_276 = vector.shape_cast %broadcast_in_dim3A_275 : vector<16xi32> to vector<16x1xi32>
        %gather3A_277 = vector.shape_cast %broadcast_in_dim3A_276 : vector<16x1xi32> to vector<16xi32>
        %gather3A_278 = tpu.dynamic_gather %add3A_254[%gather3A_277] in [0] : vector<16xf32>, vector<16xi32> -> vector<16xf32>
        scf.yield %gather3A_273, %gather3A_278 : vector<16xf32>, vector<16xf32>
      }
      %scan3A_117 = arith.constant 16 : i32
      %get3A_118 = arith.constant 752 : index
      %get3A_119 = tpu.vector_load %arg5[%get3A_118] {strides = array<i32>} : memref<768xf32, #tpu.memory_space<vmem>>, vector<16xf32>,
      %broadcast_in_dim3A_120 = arith.constant 15 : i32
      %broadcast_in_dim3A_121 = vector.broadcast %broadcast_in_dim3A_120 : i32 to vector<16xi32>
      %broadcast_in_dim3A_122 = vector.shape_cast %broadcast_in_dim3A_121 : vector<16xi32> to vector<16x1xi32>
      %gather3A_123 = vector.shape_cast %broadcast_in_dim3A_122 : vector<16x1xi32> to vector<16xi32>
      %gather3A_124 = tpu.dynamic_gather %get3A_119[%gather3A_123] in [0] : vector<16xf32>, vector<16xi32> -> vector<16xf32>
      %get3A_125 = arith.constant 752 : index
      %get3A_126 = tpu.vector_load %arg6[%get3A_125] {strides = array<i32>} : memref<768xf32, #tpu.memory_space<vmem>>, vector<16xf32>,
      %broadcast_in_dim3A_127 = arith.constant 15 : i32
      %broadcast_in_dim3A_128 = vector.broadcast %broadcast_in_dim3A_127 : i32 to vector<16xi32>
      %broadcast_in_dim3A_129 = vector.shape_cast %broadcast_in_dim3A_128 : vector<16xi32> to vector<16x1xi32>
      %gather3A_130 = vector.shape_cast %broadcast_in_dim3A_129 : vector<16x1xi32> to vector<16xi32>
      %gather3A_131 = tpu.dynamic_gather %get3A_126[%gather3A_130] in [0] : vector<16xf32>, vector<16xi32> -> vector<16xf32>
      %convert_element_type3A_132 = arith.fptosi %scan3A_116#0 : vector<16xf32> to vector<16xi32>
      %convert_element_type3A_133 = arith.sitofp %convert_element_type3A_132 : vector<16xi32> to vector<16xf32>
      %gt3A_134 = arith.cmpf ogt, %convert_element_type3A_133, %scan3A_116#0 : vector<16xf32>
      %sub3A_135 = arith.constant 1 : i32
      %sub3A_136 = vector.broadcast %sub3A_135 : i32 to vector<16xi32>
      %sub3A_137 = arith.subi %convert_element_type3A_132, %sub3A_136 : vector<16xi32>
      %select_n3A_138 = arith.select %gt3A_134, %sub3A_137, %convert_element_type3A_132 : vector<16xi1>, vector<16xi32>
      %sub3A_139 = arith.subf %scan3A_116#0, %gather3A_124 : vector<16xf32>
      %convert_element_type3A_140 = arith.fptosi %sub3A_139 : vector<16xf32> to vector<16xi32>
      %convert_element_type3A_141 = arith.sitofp %convert_element_type3A_140 : vector<16xi32> to vector<16xf32>
      %gt3A_142 = arith.cmpf ogt, %convert_element_type3A_141, %sub3A_139 : vector<16xf32>
      %sub3A_143 = arith.constant 1 : i32
      %sub3A_144 = vector.broadcast %sub3A_143 : i32 to vector<16xi32>
      %sub3A_145 = arith.subi %convert_element_type3A_140, %sub3A_144 : vector<16xi32>
      %select_n3A_146 = arith.select %gt3A_142, %sub3A_145, %convert_element_type3A_140 : vector<16xi1>, vector<16xi32>
      %convert_element_type3A_147 = arith.fptosi %scan3A_116#1 : vector<16xf32> to vector<16xi32>
      %convert_element_type3A_148 = arith.sitofp %convert_element_type3A_147 : vector<16xi32> to vector<16xf32>
      %gt3A_149 = arith.cmpf ogt, %convert_element_type3A_148, %scan3A_116#1 : vector<16xf32>
      %sub3A_150 = arith.constant 1 : i32
      %sub3A_151 = vector.broadcast %sub3A_150 : i32 to vector<16xi32>
      %sub3A_152 = arith.subi %convert_element_type3A_147, %sub3A_151 : vector<16xi32>
      %select_n3A_153 = arith.select %gt3A_149, %sub3A_152, %convert_element_type3A_147 : vector<16xi1>, vector<16xi32>
      %sub3A_154 = arith.subf %scan3A_116#1, %gather3A_131 : vector<16xf32>
      %convert_element_type3A_155 = arith.fptosi %sub3A_154 : vector<16xf32> to vector<16xi32>
      %convert_element_type3A_156 = arith.sitofp %convert_element_type3A_155 : vector<16xi32> to vector<16xf32>
      %gt3A_157 = arith.cmpf ogt, %convert_element_type3A_156, %sub3A_154 : vector<16xf32>
      %sub3A_158 = arith.constant 1 : i32
      %sub3A_159 = vector.broadcast %sub3A_158 : i32 to vector<16xi32>
      %sub3A_160 = arith.subi %convert_element_type3A_155, %sub3A_159 : vector<16xi32>
      %select_n3A_161 = arith.select %gt3A_157, %sub3A_160, %convert_element_type3A_155 : vector<16xi1>, vector<16xi32>
      %scan3A_162 = arith.constant 0 : i32
      %scan3A_163 = arith.constant 16 : i32
      %scan3A_164 = arith.addi %scan3A_162, %scan3A_163 : i32
      %scan3A_165 = arith.constant 1 : i32
      %scan3A_166:9 = scf.for %scan3A_238 = %scan3A_162 to %scan3A_164 step %scan3A_165 iter_args(%scan3A_239 = %broadcast_in_dim3A_4, %scan3A_240 = %broadcast_in_dim3A_4, %scan3A_241 = %broadcast_in_dim3A_4, %scan3A_242 = %broadcast_in_dim3A_4, %scan3A_243 = %broadcast_in_dim3A_4, %scan3A_244 = %broadcast_in_dim3A_4, %scan3A_245 = %broadcast_in_dim3A_4, %scan3A_246 = %broadcast_in_dim3A_4, %scan3A_247 = %broadcast_in_dim3A_4) -> (vector<16xf32>, vector<16xf32>, vector<16xf32>, vector<16xf32>, vector<16xf32>, vector<16xf32>, vector<16xf32>, vector<16xf32>, vector<16xf32>)  : i32 {
        %mul3A_248 = arith.constant 16 : i32
        %mul3A_249 = arith.muli %scan3A_238, %mul3A_248 : i32
        %mul3A_250 = arith.constant 16 : i32
        %mul3A_251 = arith.muli %scan3A_238, %mul3A_250 : i32
        %add3A = vector.broadcast %mul3A_251 : i32 to vector<16xi32>
        %add3A_252 = arith.addi %iota3A, %add3A : vector<16xi32>
        %get3A_253 = arith.index_cast %mul3A_249 : i32 to index
        %get3A_254 = tpu.vector_load %arg7[%get3A_253] {strides = array<i32>} : memref<256xf32, #tpu.memory_space<vmem>>, vector<16xf32>,
        %broadcast_in_dim3A_255 = arith.constant true
        %broadcast_in_dim3A_256 = vector.broadcast %broadcast_in_dim3A_255 : i1 to vector<16xi1>
        %masked_cumsum3A = tpu.scan <sum>, %get3A_254 masked %broadcast_in_dim3A_256 : vector<16xf32>, vector<16xi1> -> vector<16xf32>
        %add3A_257 = arith.addf %masked_cumsum3A, %scan3A_239 : vector<16xf32>
        %get3A_258 = arith.index_cast %mul3A_249 : i32 to index
        %get3A_259 = tpu.vector_load %arg10[%get3A_258] {strides = array<i32>} : memref<256xf32, #tpu.memory_space<vmem>>, vector<16xf32>,
        %broadcast_in_dim3A_260 = arith.constant true
        %broadcast_in_dim3A_261 = vector.broadcast %broadcast_in_dim3A_260 : i1 to vector<16xi1>
        %masked_cumsum3A_262 = tpu.scan <sum>, %get3A_259 masked %broadcast_in_dim3A_261 : vector<16xf32>, vector<16xi1> -> vector<16xf32>
        %add3A_263 = arith.addf %masked_cumsum3A_262, %scan3A_240 : vector<16xf32>
        %ge3A = arith.cmpi sge, %add3A_252, %select_n3A : vector<16xi32>
        %ge3A_264 = arith.cmpi sge, %add3A_252, %select_n3A_46 : vector<16xi32>
        %select_n3A_265 = arith.select %ge3A_264, %broadcast_in_dim3A_4, %add3A_257 : vector<16xi1>, vector<16xf32>
        %select_n3A_266 = arith.select %ge3A, %broadcast_in_dim3A_10, %select_n3A_265 : vector<16xi1>, vector<16xf32>
        %ge3A_267 = arith.cmpi sge, %add3A_252, %select_n3A_53 : vector<16xi32>
        %ge3A_268 = arith.cmpi sge, %add3A_252, %select_n3A_61 : vector<16xi32>
        %select_n3A_269 = arith.select %ge3A_268, %broadcast_in_dim3A_4, %add3A_263 : vector<16xi1>, vector<16xf32>
        %select_n3A_270 = arith.select %ge3A_267, %broadcast_in_dim3A_10, %select_n3A_269 : vector<16xi1>, vector<16xf32>
        %sub3A_271 = arith.subf %select_n3A_266, %select_n3A_270 : vector<16xf32>
        %mul3A_272 = arith.mulf %sub3A_271, %sub3A_271 : vector<16xf32>
        %add3A_273 = arith.addf %scan3A_245, %mul3A_272 : vector<16xf32>
        %broadcast_in_dim3A_274 = arith.constant 15 : i32
        %broadcast_in_dim3A_275 = vector.broadcast %broadcast_in_dim3A_274 : i32 to vector<16xi32>
        %broadcast_in_dim3A_276 = vector.shape_cast %broadcast_in_dim3A_275 : vector<16xi32> to vector<16x1xi32>
        %gather3A_277 = vector.shape_cast %broadcast_in_dim3A_276 : vector<16x1xi32> to vector<16xi32>
        %gather3A_278 = tpu.dynamic_gather %add3A_257[%gather3A_277] in [0] : vector<16xf32>, vector<16xi32> -> vector<16xf32>
        %broadcast_in_dim3A_279 = arith.constant 15 : i32
        %broadcast_in_dim3A_280 = vector.broadcast %broadcast_in_dim3A_279 : i32 to vector<16xi32>
        %broadcast_in_dim3A_281 = vector.shape_cast %broadcast_in_dim3A_280 : vector<16xi32> to vector<16x1xi32>
        %gather3A_282 = vector.shape_cast %broadcast_in_dim3A_281 : vector<16x1xi32> to vector<16xi32>
        %gather3A_283 = tpu.dynamic_gather %add3A_263[%gather3A_282] in [0] : vector<16xf32>, vector<16xi32> -> vector<16xf32>
        %get3A_284 = arith.index_cast %mul3A_249 : i32 to index
        %get3A_285 = tpu.vector_load %arg8[%get3A_284] {strides = array<i32>} : memref<256xf32, #tpu.memory_space<vmem>>, vector<16xf32>,
        %broadcast_in_dim3A_286 = arith.constant true
        %broadcast_in_dim3A_287 = vector.broadcast %broadcast_in_dim3A_286 : i1 to vector<16xi1>
        %masked_cumsum3A_288 = tpu.scan <sum>, %get3A_285 masked %broadcast_in_dim3A_287 : vector<16xf32>, vector<16xi1> -> vector<16xf32>
        %add3A_289 = arith.addf %masked_cumsum3A_288, %scan3A_241 : vector<16xf32>
        %get3A_290 = arith.index_cast %mul3A_249 : i32 to index
        %get3A_291 = tpu.vector_load %arg11[%get3A_290] {strides = array<i32>} : memref<256xf32, #tpu.memory_space<vmem>>, vector<16xf32>,
        %broadcast_in_dim3A_292 = arith.constant true
        %broadcast_in_dim3A_293 = vector.broadcast %broadcast_in_dim3A_292 : i1 to vector<16xi1>
        %masked_cumsum3A_294 = tpu.scan <sum>, %get3A_291 masked %broadcast_in_dim3A_293 : vector<16xf32>, vector<16xi1> -> vector<16xf32>
        %add3A_295 = arith.addf %masked_cumsum3A_294, %scan3A_242 : vector<16xf32>
        %ge3A_296 = arith.cmpi sge, %add3A_252, %select_n3A_88 : vector<16xi32>
        %ge3A_297 = arith.cmpi sge, %add3A_252, %select_n3A_96 : vector<16xi32>
        %select_n3A_298 = arith.select %ge3A_297, %select_n3A_266, %add3A_289 : vector<16xi1>, vector<16xf32>
        %select_n3A_299 = arith.select %ge3A_296, %broadcast_in_dim3A_10, %select_n3A_298 : vector<16xi1>, vector<16xf32>
        %ge3A_300 = arith.cmpi sge, %add3A_252, %select_n3A_103 : vector<16xi32>
        %ge3A_301 = arith.cmpi sge, %add3A_252, %select_n3A_111 : vector<16xi32>
        %select_n3A_302 = arith.select %ge3A_301, %select_n3A_270, %add3A_295 : vector<16xi1>, vector<16xf32>
        %select_n3A_303 = arith.select %ge3A_300, %broadcast_in_dim3A_10, %select_n3A_302 : vector<16xi1>, vector<16xf32>
        %sub3A_304 = arith.subf %select_n3A_299, %select_n3A_303 : vector<16xf32>
        %mul3A_305 = arith.mulf %sub3A_304, %sub3A_304 : vector<16xf32>
        %add3A_306 = arith.addf %scan3A_246, %mul3A_305 : vector<16xf32>
        %broadcast_in_dim3A_307 = arith.constant 15 : i32
        %broadcast_in_dim3A_308 = vector.broadcast %broadcast_in_dim3A_307 : i32 to vector<16xi32>
        %broadcast_in_dim3A_309 = vector.shape_cast %broadcast_in_dim3A_308 : vector<16xi32> to vector<16x1xi32>
        %gather3A_310 = vector.shape_cast %broadcast_in_dim3A_309 : vector<16x1xi32> to vector<16xi32>
        %gather3A_311 = tpu.dynamic_gather %add3A_289[%gather3A_310] in [0] : vector<16xf32>, vector<16xi32> -> vector<16xf32>
        %broadcast_in_dim3A_312 = arith.constant 15 : i32
        %broadcast_in_dim3A_313 = vector.broadcast %broadcast_in_dim3A_312 : i32 to vector<16xi32>
        %broadcast_in_dim3A_314 = vector.shape_cast %broadcast_in_dim3A_313 : vector<16xi32> to vector<16x1xi32>
        %gather3A_315 = vector.shape_cast %broadcast_in_dim3A_314 : vector<16x1xi32> to vector<16xi32>
        %gather3A_316 = tpu.dynamic_gather %add3A_295[%gather3A_315] in [0] : vector<16xf32>, vector<16xi32> -> vector<16xf32>
        %get3A_317 = arith.index_cast %mul3A_249 : i32 to index
        %get3A_318 = tpu.vector_load %arg9[%get3A_317] {strides = array<i32>} : memref<256xf32, #tpu.memory_space<vmem>>, vector<16xf32>,
        %broadcast_in_dim3A_319 = arith.constant true
        %broadcast_in_dim3A_320 = vector.broadcast %broadcast_in_dim3A_319 : i1 to vector<16xi1>
        %masked_cumsum3A_321 = tpu.scan <sum>, %get3A_318 masked %broadcast_in_dim3A_320 : vector<16xf32>, vector<16xi1> -> vector<16xf32>
        %add3A_322 = arith.addf %masked_cumsum3A_321, %scan3A_243 : vector<16xf32>
        %get3A_323 = arith.index_cast %mul3A_249 : i32 to index
        %get3A_324 = tpu.vector_load %arg12[%get3A_323] {strides = array<i32>} : memref<256xf32, #tpu.memory_space<vmem>>, vector<16xf32>,
        %broadcast_in_dim3A_325 = arith.constant true
        %broadcast_in_dim3A_326 = vector.broadcast %broadcast_in_dim3A_325 : i1 to vector<16xi1>
        %masked_cumsum3A_327 = tpu.scan <sum>, %get3A_324 masked %broadcast_in_dim3A_326 : vector<16xf32>, vector<16xi1> -> vector<16xf32>
        %add3A_328 = arith.addf %masked_cumsum3A_327, %scan3A_244 : vector<16xf32>
        %ge3A_329 = arith.cmpi sge, %add3A_252, %select_n3A_138 : vector<16xi32>
        %ge3A_330 = arith.cmpi sge, %add3A_252, %select_n3A_146 : vector<16xi32>
        %select_n3A_331 = arith.select %ge3A_330, %select_n3A_299, %add3A_322 : vector<16xi1>, vector<16xf32>
        %select_n3A_332 = arith.select %ge3A_329, %broadcast_in_dim3A_10, %select_n3A_331 : vector<16xi1>, vector<16xf32>
        %ge3A_333 = arith.cmpi sge, %add3A_252, %select_n3A_153 : vector<16xi32>
        %ge3A_334 = arith.cmpi sge, %add3A_252, %select_n3A_161 : vector<16xi32>
        %select_n3A_335 = arith.select %ge3A_334, %select_n3A_303, %add3A_328 : vector<16xi1>, vector<16xf32>
        %select_n3A_336 = arith.select %ge3A_333, %broadcast_in_dim3A_10, %select_n3A_335 : vector<16xi1>, vector<16xf32>
        %sub3A_337 = arith.subf %select_n3A_332, %select_n3A_336 : vector<16xf32>
        %mul3A_338 = arith.mulf %sub3A_337, %sub3A_337 : vector<16xf32>
        %add3A_339 = arith.addf %scan3A_247, %mul3A_338 : vector<16xf32>
        %broadcast_in_dim3A_340 = arith.constant 15 : i32
        %broadcast_in_dim3A_341 = vector.broadcast %broadcast_in_dim3A_340 : i32 to vector<16xi32>
        %broadcast_in_dim3A_342 = vector.shape_cast %broadcast_in_dim3A_341 : vector<16xi32> to vector<16x1xi32>
        %gather3A_343 = vector.shape_cast %broadcast_in_dim3A_342 : vector<16x1xi32> to vector<16xi32>
        %gather3A_344 = tpu.dynamic_gather %add3A_322[%gather3A_343] in [0] : vector<16xf32>, vector<16xi32> -> vector<16xf32>
        %broadcast_in_dim3A_345 = arith.constant 15 : i32
        %broadcast_in_dim3A_346 = vector.broadcast %broadcast_in_dim3A_345 : i32 to vector<16xi32>
        %broadcast_in_dim3A_347 = vector.shape_cast %broadcast_in_dim3A_346 : vector<16xi32> to vector<16x1xi32>
        %gather3A_348 = vector.shape_cast %broadcast_in_dim3A_347 : vector<16x1xi32> to vector<16xi32>
        %gather3A_349 = tpu.dynamic_gather %add3A_328[%gather3A_348] in [0] : vector<16xf32>, vector<16xi32> -> vector<16xf32>
        scf.yield %gather3A_278, %gather3A_283, %gather3A_311, %gather3A_316, %gather3A_344, %gather3A_349, %add3A_273, %add3A_306, %add3A_339 : vector<16xf32>, vector<16xf32>, vector<16xf32>, vector<16xf32>, vector<16xf32>, vector<16xf32>, vector<16xf32>, vector<16xf32>, vector<16xf32>
      }
      %scan3A_167 = arith.constant 16 : i32
      %eq3A_168 = arith.constant 0 : i32
      %eq3A_169 = vector.broadcast %eq3A_168 : i32 to vector<16xi32>
      %eq3A_170 = arith.cmpi eq, %iota3A, %eq3A_169 : vector<16xi32>
      %reduce_sum3A = arith.constant true
      %reduce_sum3A_171 = vector.broadcast %reduce_sum3A : i1 to vector<16xi1>
      %reduce_sum3A_172 = tpu.scan <sum>, %scan3A_166#6 masked %reduce_sum3A_171 : vector<16xf32>, vector<16xi1> -> vector<16xf32>
      %reduce_sum3A_173 = vector.extract %reduce_sum3A_172[15] : f32 from vector<16xf32>
      %broadcast_in_dim3A_174 = vector.broadcast %reduce_sum3A_173 : f32 to vector<16xf32>
      %select_n3A_175 = arith.select %eq3A_170, %broadcast_in_dim3A_174, %broadcast_in_dim3A_4 : vector<16xi1>, vector<16xf32>
      %eq3A_176 = arith.constant 1 : i32
      %eq3A_177 = vector.broadcast %eq3A_176 : i32 to vector<16xi32>
      %eq3A_178 = arith.cmpi eq, %iota3A, %eq3A_177 : vector<16xi32>
      %reduce_sum3A_179 = arith.constant true
      %reduce_sum3A_180 = vector.broadcast %reduce_sum3A_179 : i1 to vector<16xi1>
      %reduce_sum3A_181 = tpu.scan <sum>, %scan3A_166#7 masked %reduce_sum3A_180 : vector<16xf32>, vector<16xi1> -> vector<16xf32>
      %reduce_sum3A_182 = vector.extract %reduce_sum3A_181[15] : f32 from vector<16xf32>
      %broadcast_in_dim3A_183 = vector.broadcast %reduce_sum3A_182 : f32 to vector<16xf32>
      %select_n3A_184 = arith.select %eq3A_178, %broadcast_in_dim3A_183, %select_n3A_175 : vector<16xi1>, vector<16xf32>
      %eq3A_185 = arith.constant 2 : i32
      %eq3A_186 = vector.broadcast %eq3A_185 : i32 to vector<16xi32>
      %eq3A_187 = arith.cmpi eq, %iota3A, %eq3A_186 : vector<16xi32>
      %reduce_sum3A_188 = arith.constant true
      %reduce_sum3A_189 = vector.broadcast %reduce_sum3A_188 : i1 to vector<16xi1>
      %reduce_sum3A_190 = tpu.scan <sum>, %scan3A_166#8 masked %reduce_sum3A_189 : vector<16xf32>, vector<16xi1> -> vector<16xf32>
      %reduce_sum3A_191 = vector.extract %reduce_sum3A_190[15] : f32 from vector<16xf32>
      %broadcast_in_dim3A_192 = vector.broadcast %reduce_sum3A_191 : f32 to vector<16xf32>
      %select_n3A_193 = arith.select %eq3A_187, %broadcast_in_dim3A_192, %select_n3A_184 : vector<16xi1>, vector<16xf32>
      %broadcast_in_dim3A_194 = arith.constant 1.000000e-30 : f32
      %broadcast_in_dim3A_195 = vector.broadcast %broadcast_in_dim3A_194 : f32 to vector<16xf32>
      %max3A = arith.maximumf %select_n3A_193, %broadcast_in_dim3A_195 : vector<16xf32>
      %bitcast_convert_type3A = tpu.bitcast %max3A : vector<16xf32> -> vector<16xi32>
      %shift_right_arithmetic3A = arith.constant 1 : i32
      %shift_right_arithmetic3A_196 = vector.broadcast %shift_right_arithmetic3A : i32 to vector<16xi32>
      %shift_right_arithmetic3A_197 = arith.shrsi %bitcast_convert_type3A, %shift_right_arithmetic3A_196 : vector<16xi32>
      %sub3A_198 = arith.constant 1597463007 : i32
      %sub3A_199 = vector.broadcast %sub3A_198 : i32 to vector<16xi32>
      %sub3A_200 = arith.subi %sub3A_199, %shift_right_arithmetic3A_197 : vector<16xi32>
      %bitcast_convert_type3A_201 = tpu.bitcast %sub3A_200 : vector<16xi32> -> vector<16xf32>
      %mul3A = arith.constant 5.000000e-01 : f32
      %mul3A_202 = vector.broadcast %mul3A : f32 to vector<16xf32>
      %mul3A_203 = arith.mulf %mul3A_202, %max3A : vector<16xf32>
      %mul3A_204 = arith.mulf %mul3A_203, %bitcast_convert_type3A_201 : vector<16xf32>
      %mul3A_205 = arith.mulf %mul3A_204, %bitcast_convert_type3A_201 : vector<16xf32>
      %sub3A_206 = arith.constant 1.500000e+00 : f32
      %sub3A_207 = vector.broadcast %sub3A_206 : f32 to vector<16xf32>
      %sub3A_208 = arith.subf %sub3A_207, %mul3A_205 : vector<16xf32>
      %mul3A_209 = arith.mulf %bitcast_convert_type3A_201, %sub3A_208 : vector<16xf32>
      %mul3A_210 = arith.constant 5.000000e-01 : f32
      %mul3A_211 = vector.broadcast %mul3A_210 : f32 to vector<16xf32>
      %mul3A_212 = arith.mulf %mul3A_211, %max3A : vector<16xf32>
      %mul3A_213 = arith.mulf %mul3A_212, %mul3A_209 : vector<16xf32>
      %mul3A_214 = arith.mulf %mul3A_213, %mul3A_209 : vector<16xf32>
      %sub3A_215 = arith.constant 1.500000e+00 : f32
      %sub3A_216 = vector.broadcast %sub3A_215 : f32 to vector<16xf32>
      %sub3A_217 = arith.subf %sub3A_216, %mul3A_214 : vector<16xf32>
      %mul3A_218 = arith.mulf %mul3A_209, %sub3A_217 : vector<16xf32>
      %mul3A_219 = arith.constant 5.000000e-01 : f32
      %mul3A_220 = vector.broadcast %mul3A_219 : f32 to vector<16xf32>
      %mul3A_221 = arith.mulf %mul3A_220, %max3A : vector<16xf32>
      %mul3A_222 = arith.mulf %mul3A_221, %mul3A_218 : vector<16xf32>
      %mul3A_223 = arith.mulf %mul3A_222, %mul3A_218 : vector<16xf32>
      %sub3A_224 = arith.constant 1.500000e+00 : f32
      %sub3A_225 = vector.broadcast %sub3A_224 : f32 to vector<16xf32>
      %sub3A_226 = arith.subf %sub3A_225, %mul3A_223 : vector<16xf32>
      %mul3A_227 = arith.mulf %mul3A_218, %sub3A_226 : vector<16xf32>
      %lt3A = arith.constant 3 : i32
      %lt3A_228 = vector.broadcast %lt3A : i32 to vector<16xi32>
      %lt3A_229 = arith.cmpi slt, %iota3A, %lt3A_228 : vector<16xi32>
      %mul3A_230 = arith.mulf %max3A, %mul3A_227 : vector<16xf32>
      %select_n3A_231 = arith.select %lt3A_229, %mul3A_230, %broadcast_in_dim3A_4 : vector<16xi1>, vector<16xf32>
      %reduce_sum3A_232 = arith.constant true
      %reduce_sum3A_233 = vector.broadcast %reduce_sum3A_232 : i1 to vector<16xi1>
      %reduce_sum3A_234 = tpu.scan <sum>, %select_n3A_231 masked %reduce_sum3A_233 : vector<16xf32>, vector<16xi1> -> vector<16xf32>
      %reduce_sum3A_235 = vector.extract %reduce_sum3A_234[15] : f32 from vector<16xf32>
      %broadcast_in_dim3A_236 = vector.broadcast %reduce_sum3A_235 : f32 to vector<16xf32>
      %swap3A = arith.constant 0 : index
      %swap3A_237 = tpu.vector_load %arg13[%swap3A] {strides = array<i32>} : memref<16xf32, #tpu.memory_space<vmem>>, vector<16xf32>,
      tpu.vector_store %arg13[%swap3A], %broadcast_in_dim3A_236 {strides = array<i32>} : memref<16xf32, #tpu.memory_space<vmem>>, vector<16xf32>,
      "tpu.region"() ({
        %run_scoped3A = tpu.sem_alloc : memref<!tpu.dma_semaphore, #tpu.memory_space<semaphore_mem>>
        tpu.enqueue_dma source(%arg13 : memref<16xf32, #tpu.memory_space<vmem>>) target(%arg4 : memref<16xf32, #tpu.memory_space<hbm>>) target_semaphore(%run_scoped3A : memref<!tpu.dma_semaphore, #tpu.memory_space<semaphore_mem>>)
        tpu.wait_dma2 semaphore(%run_scoped3A : memref<!tpu.dma_semaphore, #tpu.memory_space<semaphore_mem>>) src(%arg13 : memref<16xf32, #tpu.memory_space<vmem>>) dst(%arg4 : memref<16xf32, #tpu.memory_space<hbm>>)
        tpu.yield
      }) : () -> ()
    } else {
    }
    return
  }
}

</mosaic_0001>

<sc_bundles>
// kernel: kernel.3.cloned.1.call-start
scs
__scs_entry_jumppad:
0x0: {  	(pc) =	sbr.rel $0x88, $3  }
0x1: {  	(tag) =	ssettag $0x0;
	lr =	simm.s32 $0x1  }
0x2: {  	[smem:$0x3F9F] =	sst lr;
	_ =	strace $0xD0000000  }
0x3: {  	_ = 	snop  }
0x4: {  	_ = 	snop  }
0x5: {  	_ = 	snop  }
0x6: {  	_ = 	snop  }
0x7: {  	_ = 	snop  }
__scs_overlays_trampoline_lowered:
0x8: {  	[smem:$0x3FAE] =	sst s0  }
0x9: {  	[smem:$0x3FAF] =	sst s1  }
0xa: {  	[smem:$0x3FB0] =	sst s2  }
0xb: {  	[smem:$0x3FB1] =	sst s3  }
0xc: {  	[smem:$0x3FB2] =	sst s4  }
0xd: {  	[smem:$0x3FB3] =	sst s5  }
0xe: {  	[smem:$0x3FB4] =	sst s6  }
0xf: {  	[smem:$0x3FB5] =	sst s7  }
0x10: {  	[smem:$0x3FB6] =	sst s8  }
0x11: {  	[smem:$0x3FB7] =	sst s9;
	s0 =	simm.s32 @!p0 $0x0  }
0x12: {  	s1 =	sld [smem:$0x3F9D];
	s0 =	simm.s32 @p0 $0x1  }
0x13: {  	[smem:$0x3FB8] =	sst s0;
	s0 =	simm.s32 @!p1 $0x0  }
0x14: {  	s2 =	sld [smem:$0x3F9C];
	s0 =	simm.s32 @p1 $0x1  }
0x15: {  	[smem:$0x3FB9] =	sst s0;
	s0 =	simm.s32 @!p2 $0x0  }
0x16: {  	s3 =	sld [smem:$0x3FDB];
	s0 =	simm.s32 @p2 $0x1  }
0x17: {  	s4 =	simm.s32 $0x1BF5;
	[smem:$0x3FBB] =	sst s0  }
0x18: {  	s0 =	sld [smem:$0x3F9E];
	_ =	swait.ge [sflag:s4], $0x0  }
0x19: {  	s7 =	sld [smem:$0x3F9F]  }
0x1a: {  	s8 =	sadd.s32 $0xFFFFE003, lr  }
0x1b: {  	s9 =	sadd.s32 $0xFFFFFEF7, lr;
	s5 =	simm.s32 $0xFFFFFFFF;
	p2 =	slt.u32 s8, $0xFFFFF086  }
0x1c: {  	p1 =	slt.u32 s9, $0xF7A;
	s5 =	simm.s32 @!p2 $0x0  }
0x1d: {  	s5 =	simm.s32 @p1 $0x1;
	p0 =	seq.s32 s7, s2  }
0x1e: {  	s7 =	smul.u32 @!p0 $0xF7A, s2;
	p2 =	seq.s32 @!p0 s5, $0x0  }
0x1f: {  	s9 =	smul.u32 $0xF7A, s1;
	s8 =	simm.s32 @!p0 $0x1BF5;
	p2 =	por !p2, p0  }
0x20: {  	[sflag:s8] =	ssyncset.s32 @!p0 $0xFFFFF086;
	s6 =	sadd.s32 @!p0 s3, s7;
	s7 =	simm.s32 @!p0 $0x108  }
0x21: {  	s3 =	sadd.s32 s3, s9;
	s6 =	sadd.s32 @!p0 $0x88, s6;
	s7 =	simm.s32 @p2 $0x1082  }
0x22: {  	[simem:s7], [sflag:s8] =	dma.local @!p0 [hbm:s6], $0xF7A  }
0x23: {  	s9 =	sor.u32 $0xD0000000, s2;
	s6 =	simm.s32 $0x108;
	_ =	swait.ge @!p0 [sflag:s8], $0x0  }
0x24: {  	s3 =	sadd.s32 $0x88, s3;
	s6 =	simm.s32 @!p1 $0x1082;
	[sflag:s4] =	ssyncset.s32 $0xFFFFF086  }
0x25: {  	[simem:s6], [sflag:s4] =	dma.local [hbm:s3], $0xF7A  }
0x26: {  	[smem:$0x3F9F] =	sst s1;
	(tag) =	ssettag s2;
	_ =	strace s9  }
0x27: {  	s1 =	sld [smem:$0x3FAF]  }
0x28: {  	s2 =	sld [smem:$0x3FB0]  }
0x29: {  	s4 =	sld [smem:$0x3FB2]  }
0x2a: {  	p0 =	seq.s32 s5, $0x0;
	s5 =	sld [smem:$0x3FB3]  }
0x2b: {  	s6 =	sld [smem:$0x3FB4]  }
0x2c: {  	s7 =	sld [smem:$0x3FB5]  }
0x2d: {  	s3 =	simm.s32 $0x108;
	s8 =	sld [smem:$0x3FB6]  }
0x2e: {  	s3 =	simm.s32 @!p0 $0x1082;
	s9 =	sld [smem:$0x3FB7]  }
0x2f: {  	lr =	sadd.s32 s0, s3;
	s0 =	sld [smem:$0x3FAE]  }
0x30: {  	s3 =	sld [smem:$0x3FB1]  }
0x31: {  	[smem:$0x3FBA] =	sst s10  }
0x32: {  	s10 =	sld [smem:$0x3FB8];
	_ =	sdelay $0x3  }
0x33: {  	p0 =	seq.s32 s10, $0x1;
	s10 =	sld [smem:$0x3FBA];
	_ =	sdelay $0x3  }
0x34: {  	[smem:$0x3FBA] =	sst s10  }
0x35: {  	s10 =	sld [smem:$0x3FB9];
	_ =	sdelay $0x3  }
0x36: {  	p1 =	seq.s32 s10, $0x1;
	s10 =	sld [smem:$0x3FBA];
	_ =	sdelay $0x3  }
0x37: {  	[smem:$0x3FBA] =	sst s10  }
0x38: {  	s10 =	sld [smem:$0x3FBB]  }
0x39: {  	_ = 	snop;
	(pc) =	sbr.ind lr, $3  }
0x3a: {  	_ = 	snop  }
0x3b: {  	_ = 	snop  }
0x3c: {  	p2 =	seq.s32 s10, $0x1;
	s10 =	sld [smem:$0x3FBA]  }
0x3d: {  	_ =	shalt  }
0x3e: {  	_ =	shalt  }
0x3f: {  	_ =	shalt  }
0x40: {  	_ =	shalt  }
0x41: {  	_ =	shalt  }
0x42: {  	_ =	shalt  }
0x43: {  	_ =	shalt  }
0x44: {  	_ =	shalt  }
0x45: {  	_ =	shalt  }
0x46: {  	_ =	shalt  }
0x47: {  	_ =	shalt  }
0x48: {  	_ =	shalt  }
0x49: {  	_ =	shalt  }
0x4a: {  	_ =	shalt  }
0x4b: {  	_ =	shalt  }
0x4c: {  	_ =	shalt  }
0x4d: {  	_ =	shalt  }
0x4e: {  	_ =	shalt  }
0x4f: {  	_ =	shalt  }
0x50: {  	_ =	shalt  }
0x51: {  	_ =	shalt  }
0x52: {  	_ =	shalt  }
0x53: {  	_ =	shalt  }
0x54: {  	_ =	shalt  }
0x55: {  	_ =	shalt  }
0x56: {  	_ =	shalt  }
0x57: {  	_ =	shalt  }
0x58: {  	_ =	shalt  }
0x59: {  	_ =	shalt  }
0x5a: {  	_ =	shalt  }
0x5b: {  	_ =	shalt  }
0x5c: {  	_ =	shalt  }
0x5d: {  	_ =	shalt  }
0x5e: {  	_ =	shalt  }
0x5f: {  	_ =	shalt  }
0x60: {  	_ =	shalt  }
0x61: {  	_ =	shalt  }
0x62: {  	_ =	shalt  }
0x63: {  	_ =	shalt  }
0x64: {  	_ =	shalt  }
0x65: {  	_ =	shalt  }
0x66: {  	_ =	shalt  }
0x67: {  	_ =	shalt  }
0x68: {  	_ =	shalt  }
0x69: {  	_ =	shalt  }
0x6a: {  	_ =	shalt  }
0x6b: {  	_ =	shalt  }
0x6c: {  	_ =	shalt  }
0x6d: {  	_ =	shalt  }
0x6e: {  	_ =	shalt  }
0x6f: {  	_ =	shalt  }
0x70: {  	_ =	shalt  }
0x71: {  	_ =	shalt  }
0x72: {  	_ =	shalt  }
0x73: {  	_ =	shalt  }
0x74: {  	_ =	shalt  }
0x75: {  	_ =	shalt  }
0x76: {  	_ =	shalt  }
0x77: {  	_ =	shalt  }
0x78: {  	_ =	shalt  }
0x79: {  	_ =	shalt  }
0x7a: {  	_ =	shalt  }
0x7b: {  	_ =	shalt  }
0x7c: {  	_ =	shalt  }
0x7d: {  	_ =	shalt  }
0x7e: {  	_ =	shalt  }
0x7f: {  	_ =	shalt  }
0x80: {  	_ =	shalt  }
0x81: {  	_ =	shalt  }
0x82: {  	_ =	shalt  }
0x83: {  	_ =	shalt  }
0x84: {  	_ =	shalt  }
0x85: {  	_ =	shalt  }
0x86: {  	_ =	shalt  }
0x87: {  	_ =	shalt  }
.Lfunc_end0:
.L_simem_size_0:
called_computation_lowered:
.L_overlay_start_0:
0x88: {  	s2 =	sld [smem:$0x3FD9]  }
0x89: {  	s3 =	sld [smem:$0x3FFE];
	_ =	sdelay $0x1  }
0x8a: {  	s1 =	srdreg.scid  }
0x8b: {  	s0 =	sand.u32 $0x1, s1  }
0x8c: {  	s17 =	sshll.u32 s0, $0xA;
	s2 =	sadd.s32 s3, s2  }
0x8d: {  	s2 =	sadd.s32 s2, s17  }
0x8e: {  	[smem:$0x3FC6] =	sst s2  }
0x8f: {  	_ = 	snop  }
0x90: {  	s2 =	sld [smem:$0x3FD0];
	(tm) =	ssettm $0x1  }
0x91: {  	s18 =	sld [smem:$0x3FFB];
	_ =	sdelay $0x3  }
0x92: {  	_ =	strace s18  }
0x93: {  	s3 =	sld [smem:$0x3FFC];
	_ =	sdelay $0x3  }
0x94: {  	_ =	strace s3  }
0x95: {  	s3 =	sld [smem:$0x3FFD];
	_ =	sdelay $0x3  }
0x96: {  	_ =	strace s3  }
0x97: {  	_ =	strace $0x8FFFFFFF  }
0x98: {  	s19 =	sld [smem:$0x3FDB];
	_ =	sdelay $0x1  }
0x99: {  	s4 =	simm.s32 $_scs_section_size  }
0x9a: {  	s5 =	simm.s32 $_size__tile_overlayer_lowered;
	s6 =	simm.s32 $_tile_overlayer_lowered  }
0x9b: {  	s22 =	simm.s32 $0x1BFF;
	s21 =	sshll.u32 s6, $0x1;
	s3 =	sadd.s32 s4, s19  }
0x9c: {  	s7 =	simm.s32 $0x0;
	s20 =	sshll.u32 s5, $0x1;
	s5 =	sadd.s32 s21, s3  }
0x9d: {  	[timem:s7], [sflag:s22] =	dma.local [hbm:s5], s20  }
0x9e: {  	_ =	swait.ge [sflag:s22], s20  }
0x9f: {  	s4 =	ssub.s32 $0x0, s20;
	[sflag:s22] =	ssyncset.done $0x0  }
0xa0: {  	[sflag:s22] =	ssyncadd.s32 s4;
	_ =	sdelay $0x1  }
0xa1: {  	s23 =	simm.s32 $0x1B8B  }
0xa2: {  	_ =	swait.ge [sflag:s23], $0x1  }
0xa3: {  	[sflag:s23] =	ssyncset.done $0x0  }
0xa4: {  	s25 =	simm.s32 $0x1B8E;
	s24 =	sld [smem:$0x3FFE];
	[sflag:s23] =	ssyncadd.s32 $0xFFFFFFFF  }
0xa5: {  	s26 =	simm.s32 $execute0_lowered;
	[smem:$0x3FD2] =	sst s25  }
0xa6: {  	s5 =	sshll.u32 s26, $0x1;
	_ =	strace $0x80000046;
	[dreg:$0x1] =	wrdreg $0xFFFFFFFF  }
0xa7: {  	s28 =	simm.s32 $_size_execute0_lowered;
	s3 =	sadd.s32 s3, s5;
	[dreg:$0x0] =	wrdreg $0x0  }
0xa8: {  	s5 =	sshll.u32 s28, $0x1;
	[dreg:$0x2] =	wrdreg s3  }
0xa9: {  	[dreg:$0x3] =	wrdreg s5  }
0xaa: {  	[dreg:$0x4] =	wrdreg $0xC0  }
0xab: {  	_ =	task [dreg:s7], $0x5FFFF  }
0xac: {  	[dreg:$0x1] =	wrdreg $0xFFFFFFFF  }
0xad: {  	[dreg:$0x0] =	wrdreg $0x60  }
0xae: {  	[dreg:$0x2] =	wrdreg s24  }
0xaf: {  	[dreg:$0x3] =	wrdreg s2  }
0xb0: {  	[dreg:$0x4] =	wrdreg $0x9  }
0xb1: {  	_ =	task.clear_ibuf [dreg:s7], $0x5FFFF;
	_ =	strace $0x90000046  }
0xb2: {  	s29 =	simm.s32 $0x9;
	_ =	strace $0x80000048  }
0xb3: {  	_ =	swait.ge [sflag:s29], $0x1  }
0xb4: {  	[sflag:s29] =	ssyncadd.s32 $0xFFFFFFFF  }
0xb5: {  	_ =	strace $0x90000048  }
0xb6: {  	_ =	sfence  }
0xb7: {  	s30 =	sld [smem:$0x0];
	_ =	sdelay $0x2  }
0xb8: {  	s31 =	sshll.u32 s1, $0xD;
	s1 =	sshrl.u32 s1, $0x2  }
0xb9: {  	s3 =	sand.u32 $0x4000, s31;
	s1 =	sadd.s32 s1, s30  }
0xba: {  	s0 =	sor.u32 s3, s0;
	s1 =	sshll.u32 s1, $0x11  }
0xbb: {  	s0 =	sor.u32 s1, s0  }
0xbc: {  	s0 =	sadd.s32 $0x8F2B, s0  }
0xbd: {  	[sflag:s0] =	ssyncadd.remote.s32 $0x1  }
0xbe: {  	_ =	sfence.sel $0xFFFF  }
0xbf: {  	[dreg:$0x0] =	wrdreg $0xFFFFFFFF;
	(pc) =	sbr.abs _section_cstart, $3  }
0xc0: {  	[dreg:$0x1] =	wrdreg $0xFFFFFFFF  }
0xc1: {  	_ =	task.clear_ibuf [dreg:s7], $0x2FFFF;
	_ =	strace $0x9FFFFFFF  }
0xc2: {  	(tm) =	ssettm $0x7FFFFFFF  }
0xc3: {  	_ =	shalt  }
tec
execute0_lowered:
.L_overlay_start_1:
0x0: {  	(tag) =	ssettag $0x1  }
0x1: {  	s0 =	srdreg.scid  }
0x2: {  	s4 =	sand.u32 $0x1, s0;
	s0 =	stileid.u32  }
0x3: {  	s5 =	sor.u32 s0, s4  }
0x4: {  	p0 =	sne.s32 s5, $0x0  }
.Ltmp0:
0x5: {  	_ = 	snop;
	(pc) =	sbr.rel @p0 .LBB2_13-.Ltmp0, $4  }
0x6: {  	_ = 	snop  }
0x7: {  	s2 =	rddreg [dreg:$0x0]  }
0x8: {  	s3 =	rddreg [dreg:$0x1]  }
0x9: {  	s1 =	rddreg [dreg:$0x2];
	_ =	strace $0x80000047  }
0xa: {  	s5 =	ssub.s32 $0x2, s4;
	s4 =	sadd.s32 $0x200, s2  }
0xb: {  	s7 =	simm.s32 $0x300;
	s8 =	simm.s32 $0x1;
	s9 =	simm.s32 $0x2  }
0xc: {  	s10 =	simm.s32 $0x600;
	s11 =	simm.s32 $0x900;
	s12 =	simm.s32 $0x700  }
0xd: {  	v0 =	vimm.f32 $0.0e+00;
	v1 =	vimm.s32 $0x0;
	v2 =	vimm.f32 $1.000000000e+00;
	s13 =	simm.s32 $0xA00;
	s14 =	simm.s32 $0x800;
	s15 =	simm.s32 $0xB00  }
0xe: {  	v3 =	vimm.s32 $0xF;
	v4 =	vlaneseq.u32;
	vm0 =	vmmov $0x1;
	s16 =	simm.s32 $0xC00;
	s17 =	simm.s32 $0x3;
	s6 =	sshrl.u32 s5, $0x1  }
0xf: {  	vm1 =	vcmask $0x30C;
	vm2 =	vcmask $0x70C;
	vm3 =	vmmov $0x7;
	s18 =	simm.s32 $0x0;
	s5 =	ssub.s32 s5, s6;
	s6 =	simm.s32 $0x0  }
.LBB2_2:
0x10: {  	[tilespmem:s6], [sflag:$0x1] =	stream.linear.gather [hbm4b:s2+s6], $0x300, $0x38;
	[tilespmem:$0xC80] =	vst v63  }
0x11: {  	s19 =	simm.s32 $0x0  }
0x12: {  	[tilespmem:s7], [sflag:$0x2] =	stream.linear.gather [hbm4b:s4+s6], $0x300, $0x38;
	[tilespmem:$0xC80] =	vst v63  }
0x13: {  	[tilespmem:s19+$0xB00] =	vst v0  }
0x14: {  	[tilespmem:s19+$0x600] =	vst v0  }
0x15: {  	[tilespmem:s19+$0x700] =	vst v0  }
0x16: {  	[tilespmem:s19+$0x800] =	vst v0  }
0x17: {  	s20 =	simm.s32 $0x40;
	[tilespmem:s19+$0x900] =	vst v0  }
.LBB2_3:
0x18: {  	p0 =	sne.s32 s20, $0x3C0;
	[tilespmem:s19+$0xA00] =	vst v0;
	s19 =	sshra.s32 s20, $0x2;
	s20 =	sadd.s32 $0x40, s20  }
.Ltmp1:
0x19: {  	[tilespmem:s19+$0xB00] =	vst v0;
	(pc) =	sbr.rel @p0 .LBB2_3-.Ltmp1, $4  }
0x1a: {  	[tilespmem:s19+$0x600] =	vst v0  }
0x1b: {  	[tilespmem:s19+$0x700] =	vst v0  }
0x1c: {  	[tilespmem:s19+$0x800] =	vst v0  }
0x1d: {  	[tilespmem:s19+$0x900] =	vst v0  }
0x1e: {  	[tilespmem:s19+$0xA00] =	vst v0  }
0x1f: {  	_ =	swait.ge [sflag:s8], $0x300  }
0x20: {  	[sflag:s8] =	ssyncset.done $0x0  }
0x21: {  	[sflag:s8] =	ssyncadd.s32 $0xFFFFFD00  }
0x22: {  	_ =	swait.ge [sflag:s9], $0x300  }
0x23: {  	[sflag:s9] =	ssyncset.done $0x0  }
0x24: {  	s20 =	simm.s32 $0x0;
	[sflag:s9] =	ssyncadd.s32 $0xFFFFFD00  }
0x25: {  	v7 =	vld [tilespmem:s20+$0x0];
	_ =	sdelay $0x1  }
0x26: {  	v5 =	vimm.f32 $0.0e+00;
	s19 =	simm.s32 $0x40;
	v6 =	vimm.f32 $0.0e+00  }
.LBB2_5:
0x27: {  	p0 =	sne.s32 s19, $0x3C0;
	v8 =	vld [tilespmem:s20+$0x300];
	_ =	sdelay $0x1  }
0x28: {  	(xrf2) =	vadd.scan.msk.f32 $0xffff, v7;
	_ =	sdelay $0x2  }
0x29: {  	(xrf2) =	vadd.scan.msk.f32 $0xffff, v8;
	_ =	sdelay $0x6  }
0x2a: {  	v7, _, _ =	vpop (xrf2);
	_ =	sdelay $0x2  }
0x2b: {  	v7 =	vadd.f32 v7, v5;
	v5, _, _ =	vpop (xrf2)  }
0x2c: {  	v6 =	vadd.f32 v5, v6  }
0x2d: {  	v8 =	vtrunc.f32 v7;
	v5 =	vperm.xlane v7, v3  }
0x2e: {  	v9 =	vcvt.f32.s32 v8;
	vm4 =	vlt.f32 v7, v8;
	v7 =	vtrunc.f32 v6  }
0x2f: {  	v8 =	vsel vm4, $0xFFFFFFFF, v1;
	v10 =	vcvt.f32.s32 v7;
	vm4 =	vlt.f32 v6, v7  }
0x30: {  	v7 =	vadd.s32 v9, v8;
	v6 =	vperm.xlane v6, v3;
	v8 =	vsel vm4, $0xFFFFFFFF, v1  }
0x31: {  	v8 =	vadd.s32 v10, v8;
	_ =	sdelay $0x3  }
.Ltmp2:
0x32: {  	[tilespmem:v7+s10+$0x0] =	vst.idx.add.f32.msk $0xffff, v2;
	(pc) =	sbr.rel @p0 .LBB2_5-.Ltmp2, $3  }
0x33: {  	s20 =	sshra.s32 s19, $0x2;
	[tilespmem:v8+s11+$0x0] =	vst.idx.add.f32.msk $0xffff, v2  }
0x34: {  	v7 =	vld [tilespmem:s20+$0x0];
	_ =	sdelay $0x1  }
0x35: {  	s19 =	sadd.s32 $0x40, s19  }
0x36: {  	v8 =	vld [tilespmem:s20+$0x300];
	_ =	sdelay $0x3  }
0x37: {  	(xrf2) =	vadd.scan.msk.f32 $0xffff, v7  }
0x38: {  	(xrf2) =	vadd.scan.msk.f32 $0xffff, v8;
	_ =	sdelay $0x8  }
0x39: {  	v7, _, _ =	vpop (xrf2)  }
0x3a: {  	v5 =	vadd.f32 v7, v5;
	v7, _, _ =	vpop (xrf2)  }
0x3b: {  	v6 =	vadd.f32 v7, v6  }
0x3c: {  	v7 =	vtrunc.f32 v5  }
0x3d: {  	v8 =	vcvt.f32.s32 v7;
	vm4 =	vlt.f32 v5, v7;
	v7 =	vtrunc.f32 v6  }
0x3e: {  	v9 =	vsel vm4, $0xFFFFFFFF, v1;
	v10 =	vcvt.f32.s32 v7;
	vm4 =	vlt.f32 v6, v7  }
0x3f: {  	v7 =	vadd.s32 v8, v9;
	v8 =	vsel vm4, $0xFFFFFFFF, v1  }
0x40: {  	v8 =	vadd.s32 v10, v8;
	_ =	sdelay $0x3  }
0x41: {  	[tilespmem:v7+s10+$0x0] =	vst.idx.add.f32.msk $0xffff, v2  }
0x42: {  	[tilespmem:v8+s11+$0x0] =	vst.idx.add.f32.msk $0xffff, v2  }
0x43: {  	v7 =	vld [tilespmem:$0xF0]  }
0x44: {  	v9 =	vld [tilespmem:$0x3F0];
	_ =	sdelay $0x1  }
0x45: {  	s20 =	simm.s32 $0x0  }
0x46: {  	v11 =	vld [tilespmem:s20+$0x100]  }
0x47: {  	v5 =	vperm.xlane v5, v3;
	v6 =	vperm.xlane v6, v3;
	v10 =	vimm.f32 $0.0e+00  }
0x48: {  	s19 =	simm.s32 $0x40;
	v8 =	vperm.xlane v7, v3;
	v7 =	vperm.xlane v9, v3;
	v9 =	vimm.f32 $0.0e+00  }
.LBB2_7:
0x49: {  	p0 =	sne.s32 s19, $0x3C0;
	v12 =	vld [tilespmem:s20+$0x400];
	_ =	sdelay $0x1  }
0x4a: {  	(xrf2) =	vadd.scan.msk.f32 $0xffff, v11;
	_ =	sdelay $0x2  }
0x4b: {  	(xrf2) =	vadd.scan.msk.f32 $0xffff, v12;
	_ =	sdelay $0x6  }
0x4c: {  	v11, _, _ =	vpop (xrf2);
	_ =	sdelay $0x2  }
0x4d: {  	v11 =	vadd.f32 v11, v9;
	v9, _, _ =	vpop (xrf2)  }
0x4e: {  	v10 =	vadd.f32 v9, v10  }
0x4f: {  	v12 =	vtrunc.f32 v11;
	v9 =	vperm.xlane v11, v3  }
0x50: {  	v13 =	vcvt.f32.s32 v12;
	vm4 =	vlt.f32 v11, v12;
	v11 =	vtrunc.f32 v10  }
0x51: {  	v12 =	vsel vm4, $0xFFFFFFFF, v1;
	v14 =	vcvt.f32.s32 v11;
	vm4 =	vlt.f32 v10, v11  }
0x52: {  	v11 =	vadd.s32 v13, v12;
	v10 =	vperm.xlane v10, v3;
	v12 =	vsel vm4, $0xFFFFFFFF, v1  }
0x53: {  	v12 =	vadd.s32 v14, v12;
	_ =	sdelay $0x3  }
.Ltmp3:
0x54: {  	[tilespmem:v11+s12+$0x0] =	vst.idx.add.f32.msk $0xffff, v2;
	(pc) =	sbr.rel @p0 .LBB2_7-.Ltmp3, $3  }
0x55: {  	s20 =	sshra.s32 s19, $0x2;
	[tilespmem:v12+s13+$0x0] =	vst.idx.add.f32.msk $0xffff, v2  }
0x56: {  	v11 =	vld [tilespmem:s20+$0x100];
	_ =	sdelay $0x1  }
0x57: {  	s19 =	sadd.s32 $0x40, s19  }
0x58: {  	v12 =	vld [tilespmem:s20+$0x400];
	_ =	sdelay $0x3  }
0x59: {  	(xrf2) =	vadd.scan.msk.f32 $0xffff, v11  }
0x5a: {  	(xrf2) =	vadd.scan.msk.f32 $0xffff, v12;
	_ =	sdelay $0x8  }
0x5b: {  	v11, _, _ =	vpop (xrf2)  }
0x5c: {  	v9 =	vadd.f32 v11, v9;
	v11, _, _ =	vpop (xrf2)  }
0x5d: {  	v10 =	vadd.f32 v11, v10  }
0x5e: {  	v11 =	vtrunc.f32 v9  }
0x5f: {  	v12 =	vcvt.f32.s32 v11;
	vm4 =	vlt.f32 v9, v11;
	v11 =	vtrunc.f32 v10  }
0x60: {  	v13 =	vsel vm4, $0xFFFFFFFF, v1;
	v14 =	vcvt.f32.s32 v11;
	vm4 =	vlt.f32 v10, v11  }
0x61: {  	v11 =	vadd.s32 v12, v13;
	v12 =	vsel vm4, $0xFFFFFFFF, v1  }
0x62: {  	v12 =	vadd.s32 v14, v12;
	_ =	sdelay $0x3  }
0x63: {  	[tilespmem:v11+s12+$0x0] =	vst.idx.add.f32.msk $0xffff, v2  }
0x64: {  	[tilespmem:v12+s13+$0x0] =	vst.idx.add.f32.msk $0xffff, v2  }
0x65: {  	v12 =	vld [tilespmem:$0x1F0]  }
0x66: {  	v13 =	vld [tilespmem:$0x4F0];
	_ =	sdelay $0x1  }
0x67: {  	s20 =	simm.s32 $0x0  }
0x68: {  	v15 =	vld [tilespmem:s20+$0x200]  }
0x69: {  	v9 =	vperm.xlane v9, v3;
	v14 =	vimm.f32 $0.0e+00;
	v11 =	vperm.xlane v10, v3  }
0x6a: {  	s19 =	simm.s32 $0x40;
	v12 =	vperm.xlane v12, v3;
	v10 =	vperm.xlane v13, v3;
	v13 =	vimm.f32 $0.0e+00  }
.LBB2_9:
0x6b: {  	p0 =	sne.s32 s19, $0x3C0;
	v16 =	vld [tilespmem:s20+$0x500];
	_ =	sdelay $0x1  }
0x6c: {  	(xrf2) =	vadd.scan.msk.f32 $0xffff, v15;
	_ =	sdelay $0x2  }
0x6d: {  	(xrf2) =	vadd.scan.msk.f32 $0xffff, v16;
	_ =	sdelay $0x6  }
0x6e: {  	v15, _, _ =	vpop (xrf2);
	_ =	sdelay $0x2  }
0x6f: {  	v15 =	vadd.f32 v15, v13;
	v13, _, _ =	vpop (xrf2)  }
0x70: {  	v14 =	vadd.f32 v13, v14  }
0x71: {  	v16 =	vtrunc.f32 v15;
	v13 =	vperm.xlane v15, v3  }
0x72: {  	v17 =	vcvt.f32.s32 v16;
	vm4 =	vlt.f32 v15, v16;
	v15 =	vtrunc.f32 v14  }
0x73: {  	v16 =	vsel vm4, $0xFFFFFFFF, v1;
	v18 =	vcvt.f32.s32 v15;
	vm4 =	vlt.f32 v14, v15  }
0x74: {  	v15 =	vadd.s32 v17, v16;
	v14 =	vperm.xlane v14, v3;
	v16 =	vsel vm4, $0xFFFFFFFF, v1  }
0x75: {  	v16 =	vadd.s32 v18, v16;
	_ =	sdelay $0x3  }
.Ltmp4:
0x76: {  	[tilespmem:v15+s14+$0x0] =	vst.idx.add.f32.msk $0xffff, v2;
	(pc) =	sbr.rel @p0 .LBB2_9-.Ltmp4, $3  }
0x77: {  	s20 =	sshra.s32 s19, $0x2;
	[tilespmem:v16+s15+$0x0] =	vst.idx.add.f32.msk $0xffff, v2  }
0x78: {  	v15 =	vld [tilespmem:s20+$0x200];
	_ =	sdelay $0x1  }
0x79: {  	s19 =	sadd.s32 $0x40, s19  }
0x7a: {  	v16 =	vld [tilespmem:s20+$0x500];
	_ =	sdelay $0x3  }
0x7b: {  	(xrf2) =	vadd.scan.msk.f32 $0xffff, v15  }
0x7c: {  	(xrf2) =	vadd.scan.msk.f32 $0xffff, v16;
	_ =	sdelay $0x8  }
0x7d: {  	v15, _, _ =	vpop (xrf2)  }
0x7e: {  	v13 =	vadd.f32 v15, v13;
	v15, _, _ =	vpop (xrf2)  }
0x7f: {  	v14 =	vadd.f32 v15, v14  }
0x80: {  	v15 =	vtrunc.f32 v13  }
0x81: {  	v16 =	vcvt.f32.s32 v15;
	vm4 =	vlt.f32 v13, v15;
	v15 =	vtrunc.f32 v14  }
0x82: {  	v17 =	vsel vm4, $0xFFFFFFFF, v1;
	v18 =	vcvt.f32.s32 v15;
	vm4 =	vlt.f32 v14, v15  }
0x83: {  	v15 =	vadd.s32 v16, v17;
	v16 =	vsel vm4, $0xFFFFFFFF, v1  }
0x84: {  	v16 =	vadd.s32 v18, v16;
	_ =	sdelay $0x1  }
0x85: {  	v8 =	vsub.f32 v5, v8;
	v12 =	vsub.f32 v9, v12;
	v17 =	vtrunc.f32 v5  }
0x86: {  	v23 =	vtrunc.f32 v11;
	vm4 =	vlt.f32 v5, v17;
	v18 =	vcvt.f32.s32 v17  }
0x87: {  	v5 =	vsel vm4, $0xFFFFFFFF, v1;
	v17 =	vperm.xlane v14, v3;
	v14 =	vtrunc.f32 v8;
	[tilespmem:v15+s14+$0x0] =	vst.idx.add.f32.msk $0xffff, v2  }
0x88: {  	v5 =	vadd.s32 v18, v5;
	v18 =	vsub.f32 v6, v7;
	[tilespmem:v16+s15+$0x0] =	vst.idx.add.f32.msk $0xffff, v2;
	v16 =	vtrunc.f32 v6  }
0x89: {  	vm4 =	vlt.f32 v8, v14;
	v15 =	vcvt.f32.s32 v14;
	v7 =	vcvt.f32.s32 v16;
	v14 =	vld [tilespmem:$0x2F0]  }
0x8a: {  	s19 =	simm.s32 $0x800;
	vm5 =	vlt.f32 v6, v16;
	v6 =	vsel vm4, $0xFFFFFFFF, v1;
	v16 =	vtrunc.f32 v18;
	v19 =	vld [tilespmem:$0x5F0]  }
0x8b: {  	s21 =	simm.s32 $0xB00;
	v8 =	vsel vm5, $0xFFFFFFFF, v1;
	v6 =	vadd.s32 v15, v6;
	v15 =	vld [tilespmem:s19+$0x0];
	vm4 =	vlt.f32 v18, v16  }
0x8c: {  	s22 =	simm.s32 $0x700;
	v18 =	vld [tilespmem:s21+$0x0];
	v7 =	vadd.s32 v7, v8;
	v8 =	vcvt.f32.s32 v16;
	v16 =	vtrunc.f32 v9  }
0x8d: {  	v20 =	vsel vm4, $0xFFFFFFFF, v1;
	v21 =	vcvt.f32.s32 v16;
	vm4 =	vlt.f32 v9, v16;
	v16 =	vld [tilespmem:s22+$0x0]  }
0x8e: {  	v24 =	vsub.f32 v11, v10;
	v13 =	vperm.xlane v13, v3;
	v9 =	vsel vm4, $0xFFFFFFFF, v1  }
0x8f: {  	s23 =	simm.s32 $0xA00;
	v8 =	vadd.s32 v8, v20;
	v20 =	vtrunc.f32 v12;
	v9 =	vadd.s32 v21, v9  }
0x90: {  	s24 =	simm.s32 $0x600;
	v22 =	vld [tilespmem:s23+$0x0];
	v21 =	vcvt.f32.s32 v20;
	vm4 =	vlt.f32 v12, v20;
	v14 =	vperm.xlane v14, v3;
	(xrf2) =	vadd.scan.msk.f32 $0xffff, v15  }
0x91: {  	s25 =	simm.s32 $0x900;
	v20 =	vld [tilespmem:s24+$0x0];
	v19 =	vperm.xlane v19, v3;
	v12 =	vsel vm4, $0xFFFFFFFF, v1;
	vm4 =	vlt.f32 v11, v23;
	(xrf2) =	vadd.scan.msk.f32 $0xffff, v18  }
0x92: {  	v15 =	vld [tilespmem:s25+$0x0];
	v10 =	vadd.s32 v21, v12;
	v12 =	vcvt.f32.s32 v23;
	v18 =	vtrunc.f32 v24;
	(xrf2) =	vadd.scan.msk.f32 $0xffff, v16  }
0x93: {  	v11 =	vsel vm4, $0xFFFFFFFF, v1;
	v21 =	vsub.f32 v13, v14;
	vm4 =	vlt.f32 v24, v18  }
0x94: {  	v12 =	vadd.s32 v12, v11;
	v11 =	vcvt.f32.s32 v18;
	v18 =	vtrunc.f32 v13  }
0x95: {  	(xrf2) =	vadd.scan.msk.f32 $0xffff, v22;
	v16 =	vsel vm4, $0xFFFFFFFF, v1;
	v14 =	vcvt.f32.s32 v18;
	vm4 =	vlt.f32 v13, v18  }
0x96: {  	s26 =	simm.s32 $0x810;
	(xrf2) =	vadd.scan.msk.f32 $0xffff, v20;
	v18 =	vtrunc.f32 v17;
	v13 =	vsel vm4, $0xFFFFFFFF, v1  }
0x97: {  	v20 =	vld [tilespmem:s26+$0x0];
	(xrf2) =	vadd.scan.msk.f32 $0xffff, v15;
	v15 =	vtrunc.f32 v21;
	v14 =	vadd.s32 v14, v13;
	v13 =	vsub.f32 v17, v19  }
0x98: {  	v11 =	vadd.s32 v11, v16;
	vm4 =	vlt.f32 v21, v15;
	v19 =	vcvt.f32.s32 v18  }
0x99: {  	s29 =	simm.s32 $0xB10;
	v16 =	vsel vm4, $0xFFFFFFFF, v1;
	vm4 =	vlt.f32 v17, v18;
	v17 =	vtrunc.f32 v13  }
0x9a: {  	v18 =	vsel vm4, $0xFFFFFFFF, v1;
	v22 =	vcvt.f32.s32 v17;
	vm4 =	vlt.f32 v13, v17;
	v17 =	vld [tilespmem:s29+$0x0];
	v21, _, _ =	vpop (xrf2)  }
0x9b: {  	v23, _, _ =	vpop (xrf2)  }
0x9c: {  	s31 =	simm.s32 $0x0;
	v15 =	vcvt.f32.s32 v15;
	v24, _, _ =	vpop (xrf2);
	(xrf2) =	vadd.scan.msk.f32 $0xffff, v20  }
0x9d: {  	s30 =	simm.s32 $0x710;
	v25 =	vor.u32 s31, v4  }
0x9e: {  	s19 =	simm.s32 $0xA10;
	v16 =	vadd.s32 v15, v16;
	v15 =	vadd.s32 v19, v18;
	v19 =	vld [tilespmem:s30+$0x0];
	v13 =	vsel vm4, $0xFFFFFFFF, v1  }
0x9f: {  	vm10 =	vlt.s32 v25, v5;
	v13 =	vadd.s32 v22, v13;
	v22 =	vld [tilespmem:s19+$0x0];
	(xrf2) =	vadd.scan.msk.f32 $0xffff, v17  }
0xa0: {  	s21 =	simm.s32 $0x610;
	vm12 =	vlt.s32 v25, v6;
	vm11 =	vlt.s32 v25, v7;
	vm13 =	vlt.s32 v25, v8  }
0xa1: {  	v29 =	vld [tilespmem:s21+$0x0];
	vm7 =	vlt.s32 v25, v9;
	vm9 =	vlt.s32 v25, v10;
	vm8 =	vlt.s32 v25, v12;
	v26, _, _ =	vpop (xrf2)  }
0xa2: {  	vm14 =	vlt.s32 v25, v11;
	v18 =	vimm.f32 $0.0e+00;
	vm6 =	vlt.s32 v25, v16;
	v20, _, _ =	vpop (xrf2)  }
0xa3: {  	s22 =	simm.s32 $0x910;
	vm4 =	vlt.s32 v25, v14;
	v27 =	vadd.f32 v21, v18;
	v17 =	vadd.f32 v20, v18;
	v20, _, _ =	vpop (xrf2);
	(xrf2) =	vadd.scan.msk.f32 $0xffff, v19  }
0xa4: {  	v30 =	vld [tilespmem:s22+$0x0];
	vm5 =	vlt.s32 v25, v15;
	v28 =	vadd.f32 v23, v18;
	v19 =	vadd.f32 v20, v18;
	(xrf2) =	vadd.scan.msk.f32 $0xffff, v22  }
0xa5: {  	v24 =	vadd.f32 v24, v18;
	v26 =	vadd.f32 v26, v18;
	v22 =	vperm.xlane v17, v3  }
0xa6: {  	s23 =	simm.s32 $0x820;
	v17 =	vnsel vm12, $0x0, v17;
	v20 =	vperm.xlane v19, v3;
	v19 =	vnsel vm13, $0x0, v19;
	v23, _, _ =	vpop (xrf2);
	(xrf2) =	vadd.scan.msk.f32 $0xffff, v29  }
0xa7: {  	v32 =	vld [tilespmem:s23+$0x0];
	vm15 =	vlt.s32 v25, v13;
	v17 =	vnsel vm10, $0x437F0000, v17;
	v19 =	vnsel vm11, $0x437F0000, v19  }
0xa8: {  	v31 =	vsub.f32 v17, v19;
	v17 =	vsel vm9, v24, v17;
	v19 =	vsel vm14, v26, v19  }
0xa9: {  	s24 =	simm.s32 $0xB20;
	v21 =	vperm.xlane v24, v3;
	v17 =	vnsel vm7, $0x437F0000, v17;
	v19 =	vnsel vm8, $0x437F0000, v19;
	v25, _, _ =	vpop (xrf2);
	(xrf2) =	vadd.scan.msk.f32 $0xffff, v30  }
0xaa: {  	v33 =	vsub.f32 v17, v19;
	v17 =	vsel vm6, v27, v17;
	v19 =	vsel vm15, v28, v19;
	v30 =	vld [tilespmem:s24+$0x0]  }
0xab: {  	v24 =	vperm.xlane v26, v3;
	v17 =	vnsel vm4, $0x437F0000, v17;
	v19 =	vnsel vm5, $0x437F0000, v19  }
0xac: {  	s25 =	simm.s32 $0x720;
	v34 =	vmul.f32 v31, v31;
	v33 =	vmul.f32 v33, v33;
	v35 =	vsub.f32 v17, v19;
	(xrf2) =	vadd.scan.msk.f32 $0xffff, v32  }
0xad: {  	v26 =	vperm.xlane v28, v3;
	v27 =	vperm.xlane v27, v3;
	v31 =	vld [tilespmem:s25+$0x0];
	v28, _, _ =	vpop (xrf2)  }
0xae: {  	s20 =	simm.s32 $0x20;
	s28 =	simm.s32 $0x30;
	s26 =	simm.s32 $0x10;
	v19 =	vadd.f32 v34, v18;
	v29, _, _ =	vpop (xrf2);
	v17 =	vadd.f32 v33, v18;
	v32 =	vmul.f32 v35, v35  }
.LBB2_11:
0xaf: {  	p0 =	sne.s32 s28, $0xF0;
	(xrf2) =	vadd.scan.msk.f32 $0xffff, v30;
	s19 =	sadd.s32 $0x10, s19  }
0xb0: {  	v33 =	vor.u32 s26, v4;
	s26 =	smov.u32 s20;
	s20 =	smov.u32 s28;
	v30 =	vld [tilespmem:s19+$0x0];
	v34, _, _ =	vpop (xrf2);
	v18 =	vadd.f32 v32, v18  }
0xb1: {  	vm4 =	vlt.s32 v33, v14;
	vm6 =	vlt.s32 v33, v16;
	vm5 =	vlt.s32 v33, v15  }
0xb2: {  	s21 =	sadd.s32 $0x10, s21;
	vm7 =	vlt.s32 v33, v9;
	vm9 =	vlt.s32 v33, v10;
	vm8 =	vlt.s32 v33, v12;
	(xrf2) =	vadd.scan.msk.f32 $0xffff, v31  }
0xb3: {  	vm10 =	vlt.s32 v33, v5;
	vm11 =	vlt.s32 v33, v7;
	v32 =	vadd.f32 v34, v22;
	v31 =	vld [tilespmem:s21+$0x0];
	v22, _, _ =	vpop (xrf2)  }
0xb4: {  	vm12 =	vlt.s32 v33, v6;
	vm13 =	vlt.s32 v33, v8;
	v34 =	vadd.f32 v22, v20  }
0xb5: {  	v28 =	vadd.f32 v28, v21;
	v29 =	vadd.f32 v29, v24;
	s22 =	sadd.s32 $0x10, s22;
	v22 =	vperm.xlane v32, v3;
	(xrf2) =	vadd.scan.msk.f32 $0xffff, v30  }
0xb6: {  	v35 =	vadd.f32 v23, v27;
	v36 =	vadd.f32 v25, v26;
	v30 =	vld [tilespmem:s22+$0x0];
	v20 =	vperm.xlane v34, v3;
	v23, _, _ =	vpop (xrf2)  }
0xb7: {  	v21 =	vperm.xlane v28, v3;
	v24 =	vperm.xlane v29, v3;
	v32 =	vnsel vm12, $0x0, v32  }
0xb8: {  	s23 =	sadd.s32 $0x10, s23;
	v27 =	vperm.xlane v35, v3;
	v26 =	vperm.xlane v36, v3;
	(xrf2) =	vadd.scan.msk.f32 $0xffff, v31;
	v31 =	vnsel vm13, $0x0, v34  }
0xb9: {  	v32 =	vnsel vm10, $0x437F0000, v32;
	vm10 =	vlt.s32 v33, v11;
	v34 =	vld [tilespmem:s23+$0x0];
	v25, _, _ =	vpop (xrf2);
	v31 =	vnsel vm11, $0x437F0000, v31  }
0xba: {  	v37 =	vsub.f32 v32, v31;
	v32 =	vsel vm9, v28, v32;
	v29 =	vsel vm10, v29, v31  }
0xbb: {  	s24 =	sadd.s32 $0x10, s24;
	(xrf2) =	vadd.scan.msk.f32 $0xffff, v30;
	v31 =	vnsel vm7, $0x437F0000, v32;
	v29 =	vnsel vm8, $0x437F0000, v29;
	vm7 =	vlt.s32 v33, v13  }
.Ltmp5:
0xbc: {  	v30 =	vld [tilespmem:s24+$0x0];
	v28, _, _ =	vpop (xrf2);
	v32 =	vsub.f32 v31, v29;
	v31 =	vsel vm6, v35, v31;
	v29 =	vsel vm7, v36, v29;
	(pc) =	sbr.rel @p0 .LBB2_11-.Ltmp5, $4  }
0xbd: {  	v33 =	vmul.f32 v37, v37;
	v31 =	vnsel vm4, $0x437F0000, v31;
	v35 =	vnsel vm5, $0x437F0000, v29  }
0xbe: {  	s25 =	sadd.s32 $0x10, s25;
	(xrf2) =	vadd.scan.msk.f32 $0xffff, v34;
	v32 =	vmul.f32 v32, v32;
	v34 =	vsub.f32 v31, v35  }
0xbf: {  	v19 =	vadd.f32 v33, v19;
	v31 =	vld [tilespmem:s25+$0x0];
	v29, _, _ =	vpop (xrf2)  }
0xc0: {  	s28 =	sadd.s32 $0x10, s28;
	v17 =	vadd.f32 v32, v17;
	v32 =	vmul.f32 v34, v34  }
0xc1: {  	s19 =	sadd.s32 $0x10, s19  }
0xc2: {  	s30 =	sadd.s32 $0x10, s21;
	v21 =	vadd.f32 v28, v21;
	v24 =	vadd.f32 v29, v24;
	v33 =	vld [tilespmem:s19+$0x0]  }
0xc3: {  	v34 =	vor.u32 s26, v4;
	s31 =	sadd.s32 $0x10, s22;
	v23 =	vadd.f32 v23, v27;
	v25 =	vadd.f32 v25, v26;
	v40 =	vld [tilespmem:s30+$0x0]  }
0xc4: {  	v54 =	vor.u32 s20, v4;
	v18 =	vadd.f32 v32, v18;
	vm4 =	vlt.s32 v34, v14;
	v36 =	vld [tilespmem:s31+$0x0]  }
0xc5: {  	vm6 =	vlt.s32 v34, v16;
	vm5 =	vlt.s32 v34, v15;
	v35, _, _ =	vpop (xrf2);
	vm7 =	vlt.s32 v34, v9;
	(xrf2) =	vadd.scan.msk.f32 $0xffff, v30  }
0xc6: {  	vm9 =	vlt.s32 v34, v10;
	vm8 =	vlt.s32 v34, v12;
	vm10 =	vlt.s32 v34, v5;
	v41, _, _ =	vpop (xrf2);
	(xrf2) =	vadd.scan.msk.f32 $0xffff, v31  }
0xc7: {  	vm11 =	vlt.s32 v34, v7;
	vm12 =	vlt.s32 v34, v6;
	vm13 =	vlt.s32 v34, v8;
	(xrf2) =	vadd.scan.msk.f32 $0xffff, v33  }
0xc8: {  	vm14 =	vlt.s32 v54, v11;
	v22 =	vadd.f32 v35, v22;
	v44 =	vperm.xlane v21, v3;
	(xrf2) =	vadd.scan.msk.f32 $0xffff, v40  }
0xc9: {  	vm15 =	vlt.s32 v54, v13;
	v45 =	vperm.xlane v24, v3;
	v46 =	vperm.xlane v23, v3;
	(xrf2) =	vadd.scan.msk.f32 $0xffff, v36  }
0xca: {  	v47 =	vperm.xlane v25, v3;
	v42 =	vperm.xlane v22, v3;
	v22 =	vnsel vm12, $0x0, v22  }
0xcb: {  	vm12 =	vlt.s32 v34, v11;
	v20 =	vadd.f32 v41, v20;
	v22 =	vnsel vm10, $0x437F0000, v22  }
0xcc: {  	vm10 =	vlt.s32 v54, v5;
	v21 =	vsel vm9, v21, v22;
	vm9 =	vlt.s32 v54, v12  }
0xcd: {  	v43 =	vperm.xlane v20, v3;
	v20 =	vnsel vm13, $0x0, v20;
	v21 =	vnsel vm7, $0x437F0000, v21  }
0xce: {  	vm13 =	vlt.s32 v34, v13;
	v49, _, _ =	vpop (xrf2);
	vm7 =	vlt.s32 v54, v9;
	v20 =	vnsel vm11, $0x437F0000, v20  }
0xcf: {  	vm11 =	vlt.s32 v54, v7;
	v48 =	vsub.f32 v22, v20;
	v20 =	vsel vm12, v24, v20;
	v51, _, _ =	vpop (xrf2)  }
0xd0: {  	v57 =	vadd.f32 v49, v46;
	vm12 =	vlt.s32 v54, v6;
	v20 =	vnsel vm8, $0x437F0000, v20;
	v53, _, _ =	vpop (xrf2)  }
0xd1: {  	vm8 =	vlt.s32 v54, v10;
	v50 =	vsub.f32 v21, v20;
	v21 =	vsel vm6, v23, v21;
	v33, _, _ =	vpop (xrf2)  }
0xd2: {  	v20 =	vsel vm13, v25, v20;
	v52 =	vmul.f32 v48, v48;
	vm6 =	vlt.s32 v54, v15;
	v55, _, _ =	vpop (xrf2)  }
0xd3: {  	vm13 =	vlt.s32 v54, v8;
	v21 =	vnsel vm4, $0x437F0000, v21;
	v20 =	vnsel vm5, $0x437F0000, v20;
	v5, _, _ =	vpop (xrf2)  }
0xd4: {  	vm4 =	vlt.s32 v54, v14;
	v56 =	vadd.f32 v55, v42;
	v5 =	vadd.f32 v5, v43  }
0xd5: {  	vm5 =	vlt.s32 v54, v16;
	v58 =	vadd.f32 v51, v47;
	v6 =	vadd.f32 v53, v44  }
0xd6: {  	v7 =	vadd.f32 v33, v45;
	v9 =	vnsel vm12, $0x0, v56;
	v5 =	vnsel vm13, $0x0, v5  }
0xd7: {  	v24 =	vmul.f32 v50, v50;
	v9 =	vnsel vm10, $0x437F0000, v9;
	v5 =	vnsel vm11, $0x437F0000, v5  }
0xd8: {  	v20 =	vsub.f32 v21, v20;
	v6 =	vsel vm8, v6, v9;
	v7 =	vsel vm14, v7, v5  }
0xd9: {  	v19 =	vadd.f32 v52, v19;
	v6 =	vnsel vm7, $0x437F0000, v6;
	v7 =	vnsel vm9, $0x437F0000, v7  }
0xda: {  	v5 =	vsub.f32 v9, v5;
	v8 =	vsel vm5, v57, v6;
	v59 =	vsel vm15, v58, v7  }
0xdb: {  	v6 =	vsub.f32 v6, v7;
	v7 =	vnsel vm4, $0x437F0000, v8;
	v60 =	vnsel vm6, $0x437F0000, v59  }
0xdc: {  	v61 =	vmul.f32 v20, v20;
	v5 =	vmul.f32 v5, v5;
	v7 =	vsub.f32 v7, v60  }
0xdd: {  	v62 =	vadd.f32 v24, v17;
	v6 =	vmul.f32 v6, v6  }
0xde: {  	v9 =	vadd.f32 v61, v18;
	v5 =	vadd.f32 v5, v19;
	v7 =	vmul.f32 v7, v7  }
0xdf: {  	v6 =	vadd.f32 v6, v62  }
0xe0: {  	(xrf2) =	vadd.scan.msk.f32 $0xffff, v5;
	v7 =	vadd.f32 v7, v9  }
0xe1: {  	(xrf2) =	vadd.scan.msk.f32 $0xffff, v6  }
0xe2: {  	(xrf2) =	vadd.scan.msk.f32 $0xffff, v7;
	_ =	sdelay $0x7  }
0xe3: {  	v5, _, _ =	vpop (xrf2)  }
0xe4: {  	v5 =	vbroadcast v5, $0xF;
	v6, _, _ =	vpop (xrf2)  }
0xe5: {  	v6 =	vbroadcast v6, $0xF;
	v7, _, _ =	vpop (xrf2)  }
0xe6: {  	v5 =	vnsel vm0, $0x0, v5;
	v7 =	vbroadcast v7, $0xF  }
0xe7: {  	v5 =	vsel vm1, v5, v6  }
0xe8: {  	v5 =	vsel vm2, v5, v7  }
0xe9: {  	v5 =	vmax.f32 v5, $1.000000000e-30  }
0xea: {  	v6 =	vshra.s32 v5, $0x1;
	v7 =	vmul.f32 $5.000000000e-01, v5  }
0xeb: {  	v6 =	vsub.s32 $0x5F3759DF, v6  }
0xec: {  	v63 =	vmul.f32 v6, v7;
	_ =	sdelay $0x1  }
0xed: {  	v8 =	vmul.f32 v6, v63;
	_ =	sdelay $0x1  }
0xee: {  	v8 =	vsub.f32 $1.500000000e+00, v8;
	_ =	sdelay $0x1  }
0xef: {  	v6 =	vmul.f32 v6, v8;
	_ =	sdelay $0x1  }
0xf0: {  	v8 =	vmul.f32 v6, v7;
	_ =	sdelay $0x1  }
0xf1: {  	v8 =	vmul.f32 v8, v6;
	_ =	sdelay $0x1  }
0xf2: {  	v8 =	vsub.f32 $1.500000000e+00, v8;
	_ =	sdelay $0x1  }
0xf3: {  	v6 =	vmul.f32 v8, v6;
	_ =	sdelay $0x1  }
0xf4: {  	v7 =	vmul.f32 v6, v7;
	_ =	sdelay $0x1  }
0xf5: {  	v7 =	vmul.f32 v7, v6;
	_ =	sdelay $0x1  }
0xf6: {  	v7 =	vsub.f32 $1.500000000e+00, v7;
	_ =	sdelay $0x1  }
0xf7: {  	v6 =	vmul.f32 v7, v6;
	_ =	sdelay $0x1  }
0xf8: {  	v5 =	vmul.f32 v6, v5;
	_ =	sdelay $0x1  }
0xf9: {  	v5 =	vnsel vm3, $0x0, v5  }
0xfa: {  	(xrf2) =	vadd.scan.msk.f32 $0xffff, v5;
	_ =	sdelay $0x9  }
0xfb: {  	v5, _, _ =	vpop (xrf2)  }
0xfc: {  	s18 =	sadd.s32 $0x1, s18;
	v5 =	vbroadcast v5, $0xF  }
0xfd: {  	p0 =	sne.s32 s18, s5  }
.Ltmp6:
0xfe: {  	[tilespmem:$0xC00] =	vst v5;
	(pc) =	sbr.rel @p0 .LBB2_2-.Ltmp6, $4  }
0xff: {  	[hbm4b:s3+s6] =	stream.linear.scatter [tilespmem:s16], [sflag:$0x3], $0x80, $0x38;
	[tilespmem:$0xC80] =	vst v63  }
0x100: {  	_ =	swait.ge [sflag:s17], $0x80  }
0x101: {  	[sflag:s17] =	ssyncset.done $0x0  }
0x102: {  	[sflag:s17] =	ssyncadd.s32 $0xFFFFFF80  }
.LBB2_13:
0x103: {  	_ =	sfence.sel $0x180000  }
0x104: {  	[bflag:$0x0] =	sbarrier.arrive $0xFFFF  }
0x105: {  	p0 =	sne.s32 s0, $0x0;
	_ =	strace $0x90000047  }
0x106: {  	s0 =	sadd.s32 @!p0 $0x100000, s1;
	[bflag:$0x2] =	sbarrier.arrive $0xFFFF  }
0x107: {  	[sflag:s0] =	ssyncadd.tile.s32 @!p0 $0x1;
	_ =	shalt  }
.Lfunc_end2:
_tile_overlayer_lowered:
.L_overlay_start_2:
0x108: {  	(tag) =	ssettag $0x2  }
0x109: {  	s0 =	rddreg [dreg:$0x0];
	s2 =	stileid.u32  }
0x10a: {  	s1 =	rddreg [dreg:$0x1];
	p0 =	sne.s32 s2, $0x0  }
0x10b: {  	s3 =	rddreg [dreg:$0x2];
	[bflag:$0x3] =	sbarrier.arrive $0xFFFF;
	s2 =	simm.s32 @!p0 $0x1C03  }
0x10c: {  	[timem:s3], [sflag:s2] =	dma.local @!p0 [hbm:s0], s1  }
0x10d: {  	s0 =	simm.s32 @!p0 $0x3  }
0x10e: {  	_ =	swait.ge @!p0 [sflag:s0], s1  }
0x10f: {  	s1 =	ssub.s32 @!p0 $0x0, s1;
	[sflag:s0] =	ssyncset.done @!p0 $0x0  }
0x110: {  	[sflag:s0] =	ssyncadd.s32 @!p0 s1  }
0x111: {  	[bflag:$0x3] =	sbarrier.arrive $0xFFFF  }
0x112: {  	_ =	shalt  }

</sc_bundles>
